<compile_context>
chip_gen: v7x
topology: tpu7x:2x2x1
jax: 0.10.2.dev20260603
libtpu: 0.0.44.dev20260713+nightly
codegen_flags: <defaults>
</compile_context>

<pallas_src>
import functools

import jax
import jax.numpy as jnp
from jax import lax
from jax.experimental import pallas as pl
from jax.experimental.pallas import tpu as pltpu
from jax.experimental.pallas import tpu_sc as plsc

N = 10000
E = 320000
D = 128
H = 128
C = 64

NP = 10240
EP = 327680
NCORES = 2
NSUB = 16
NTILES = NCORES * NSUB
KCH = 128
NCHUNK = EP // (NTILES * KCH)
RPT = NP // NSUB
BN = 512
GRID = NP // BN

@functools.cache
def _mesh():
  return plsc.VectorSubcoreMesh(
      core_axis_name="c", subcore_axis_name="s",
      num_cores=NCORES, num_subcores=NSUB)


@functools.cache
def _make_segsum(width):

  @functools.partial(
      pl.kernel,
      out_type=jax.ShapeDtypeStruct((NCORES, NP, width), jnp.float32),
      mesh=_mesh(),
      scratch_types=[
          pltpu.VMEM((NCHUNK, KCH), jnp.int32),
          pltpu.VMEM((NCHUNK, KCH), jnp.int32),
          pltpu.VMEM((KCH, width), jnp.float32),
          pltpu.VMEM_SHARED((NP, width), jnp.float32),
          pltpu.SemaphoreType.DMA,
      ],
  )
  def seg(g_hbm, src_hbm, dst_hbm, out_hbm, s_v, d_v, rows_v, acc_sh, sem):
    cid = lax.axis_index("c")
    sid = lax.axis_index("s")
    tid = sid * NCORES + cid
    pltpu.sync_copy(src_hbm.at[pl.ds(tid * NCHUNK, NCHUNK)], s_v)
    pltpu.sync_copy(dst_hbm.at[pl.ds(tid * NCHUNK, NCHUNK)], d_v)

    def zrow(r, carry):
      def zcol(c2, carry2):
        rows_v[r, pl.ds(c2 * 16, 16)] = jnp.zeros((16,), jnp.float32)
        return carry2
      return lax.fori_loop(0, width // 16, zcol, carry)
    lax.fori_loop(0, KCH, zrow, 0)

    def zacc(b, carry):
      pltpu.sync_copy(rows_v, acc_sh.at[pl.ds(sid * RPT + b * KCH, KCH)])
      return carry
    lax.fori_loop(0, RPT // KCH, zacc, 0)
    plsc.subcore_barrier()

    def body(j, carry):
      pltpu.async_copy(g_hbm.at[s_v.at[j]], rows_v, sem).wait()
      pltpu.sync_copy(rows_v, acc_sh.at[d_v.at[j]], add=True)
      return carry
    lax.fori_loop(0, NCHUNK, body, 0)
    plsc.subcore_barrier()

    def wout(b, carry):
      pltpu.sync_copy(acc_sh.at[pl.ds(sid * RPT + b * KCH, KCH)],
                      out_hbm.at[cid, pl.ds(sid * RPT + b * KCH, KCH)])
      return carry
    lax.fori_loop(0, RPT // KCH, wout, 0)

  return seg


@functools.cache
def _make_deg_kernel():

  @functools.partial(
      pl.kernel,
      out_type=jax.ShapeDtypeStruct((NCORES, NP, 16), jnp.float32),
      mesh=_mesh(),
      scratch_types=[
          pltpu.VMEM((NCHUNK, KCH), jnp.int32),
          pltpu.VMEM((KCH, 16), jnp.float32),
          pltpu.VMEM_SHARED((NP, 16), jnp.float32),
      ],
  )
  def _deg_kernel(dst_hbm, out_hbm, d_v, ones_v, acc_sh):
    cid = lax.axis_index("c")
    sid = lax.axis_index("s")
    tid = sid * NCORES + cid
    pltpu.sync_copy(dst_hbm.at[pl.ds(tid * NCHUNK, NCHUNK)], d_v)

    def zrow(r, carry):
      ones_v[r, pl.ds(0, 16)] = jnp.zeros((16,), jnp.float32)
      return carry
    lax.fori_loop(0, KCH, zrow, 0)

    def zacc(b, carry):
      pltpu.sync_copy(ones_v, acc_sh.at[pl.ds(sid * RPT + b * KCH, KCH)])
      return carry
    lax.fori_loop(0, RPT // KCH, zacc, 0)

    def orow(r, carry):
      ones_v[r, pl.ds(0, 16)] = jnp.ones((16,), jnp.float32)
      return carry
    lax.fori_loop(0, KCH, orow, 0)
    plsc.subcore_barrier()

    def body(j, carry):
      pltpu.sync_copy(ones_v, acc_sh.at[d_v.at[j]], add=True)
      return carry
    lax.fori_loop(0, NCHUNK, body, 0)
    plsc.subcore_barrier()

    def wout(b, carry):
      pltpu.sync_copy(acc_sh.at[pl.ds(sid * RPT + b * KCH, KCH)],
                      out_hbm.at[cid, pl.ds(sid * RPT + b * KCH, KCH)])
      return carry
    lax.fori_loop(0, RPT // KCH, wout, 0)

  return _deg_kernel




def _invs_block(pd_ref, i):
  deg = pd_ref[0, :, 0:1] + pd_ref[1, :, 0:1] + 1.0
  rows = i * BN + lax.broadcasted_iota(jnp.int32, (BN, 1), 0)
  return jnp.where(rows < N, lax.rsqrt(deg), 0.0)


def _rowmask(i):
  rows = i * BN + lax.broadcasted_iota(jnp.int32, (BN, 1), 0)
  return rows < N


def _a1_body(x_ref, w_ref, pd_ref, g_ref):
  i = pl.program_id(0)
  invs = _invs_block(pd_ref, i)
  h = jnp.dot(x_ref[...], w_ref[...], preferred_element_type=jnp.float32)
  g_ref[...] = h * invs


def _b_body(p_ref, g_ref, pd_ref, b_ref, conv_ref, sums_ref):
  i = pl.program_id(0)
  invs = _invs_block(pd_ref, i)
  t = (p_ref[0] + p_ref[1] + g_ref[...]) * invs + b_ref[...]
  conv_ref[...] = t
  tm = jnp.where(_rowmask(i), t, 0.0)
  s1 = jnp.sum(tm)
  s2 = jnp.sum(tm * tm)
  lane = lax.broadcasted_iota(jnp.int32, (1, 128), 1)
  v = jnp.where(lane == 0, s1, 0.0) + jnp.where(lane == 1, s2, 0.0)

  @pl.when(i == 0)
  def _():
    sums_ref[...] = v

  @pl.when(i > 0)
  def _():
    sums_ref[...] = sums_ref[...] + v


def _norm_scalars(sums_ref):
  cnt = float(N * H)
  s1 = sums_ref[0, 0]
  s2 = sums_ref[0, 1]
  m = s1 / cnt
  var = (s2 - s1 * s1 / cnt) / (cnt - 1.0)
  return m, jnp.sqrt(var) + 1e-6


def _a2_body(conv_ref, sums_ref, w_ref, pd_ref, xin_ref, g_ref):
  i = pl.program_id(0)
  m, std = _norm_scalars(sums_ref)
  invs = _invs_block(pd_ref, i)
  xin = jnp.maximum((conv_ref[...] - m) / std, 0.0)
  xin = jnp.where(_rowmask(i), xin, 0.0)
  xin_ref[...] = xin
  g_ref[...] = jnp.dot(xin, w_ref[...], preferred_element_type=jnp.float32) * invs


def _a3_body(conv_ref, sums_ref, xin2_ref, w_ref, pd_ref, g_ref):
  i = pl.program_id(0)
  m, std = _norm_scalars(sums_ref)
  invs = _invs_block(pd_ref, i)
  xin = jnp.maximum((conv_ref[...] - m) / std, 0.0)
  xin = jnp.where(_rowmask(i), xin, 0.0) + xin2_ref[...]
  g_ref[...] = jnp.dot(xin, w_ref[...], preferred_element_type=jnp.float32) * invs


def _b3_body(p_ref, g_ref, pd_ref, b_ref, out_ref):
  i = pl.program_id(0)
  invs = _invs_block(pd_ref, i)
  t = (p_ref[0] + p_ref[1] + g_ref[...])[:, :C] * invs + b_ref[...]
  mx = jnp.max(t, axis=1, keepdims=True)
  lse = jnp.log(jnp.sum(jnp.exp(t - mx), axis=1, keepdims=True)) + mx
  out_ref[...] = t - lse


def _row_spec(width):
  return pl.BlockSpec((BN, width), lambda i: (i, 0))


_PD_SPEC = pl.BlockSpec((NCORES, BN, 16), lambda i: (0, i, 0))
_SUMS_SPEC = pl.BlockSpec((1, 128), lambda i: (0, 0))


def _full_spec(shape):
  return pl.BlockSpec(shape, lambda i: tuple(0 for _ in shape))


def _parts_spec(width):
  return pl.BlockSpec((NCORES, BN, width), lambda i: (0, i, 0))


_a1 = pl.pallas_call(
    _a1_body,
    grid=(GRID,),
    in_specs=[_row_spec(D), _full_spec((D, H)), _PD_SPEC],
    out_specs=_row_spec(H),
    out_shape=jax.ShapeDtypeStruct((NP, H), jnp.float32),
)

_b128 = pl.pallas_call(
    _b_body,
    grid=(GRID,),
    in_specs=[_parts_spec(H), _row_spec(H), _PD_SPEC, _full_spec((H,))],
    out_specs=[_row_spec(H), _SUMS_SPEC],
    out_shape=[
        jax.ShapeDtypeStruct((NP, H), jnp.float32),
        jax.ShapeDtypeStruct((1, 128), jnp.float32),
    ],
)

_a2 = pl.pallas_call(
    _a2_body,
    grid=(GRID,),
    in_specs=[_row_spec(H), _SUMS_SPEC, _full_spec((H, H)), _PD_SPEC],
    out_specs=[_row_spec(H), _row_spec(H)],
    out_shape=[
        jax.ShapeDtypeStruct((NP, H), jnp.float32),
        jax.ShapeDtypeStruct((NP, H), jnp.float32),
    ],
)

_a3 = pl.pallas_call(
    _a3_body,
    grid=(GRID,),
    in_specs=[_row_spec(H), _SUMS_SPEC, _row_spec(H), _full_spec((H, H)),
              _PD_SPEC],
    out_specs=_row_spec(H),
    out_shape=jax.ShapeDtypeStruct((NP, H), jnp.float32),
)

_b3 = pl.pallas_call(
    _b3_body,
    grid=(GRID,),
    in_specs=[_parts_spec(H), _row_spec(H), _PD_SPEC, _full_spec((C,))],
    out_specs=_row_spec(C),
    out_shape=jax.ShapeDtypeStruct((NP, C), jnp.float32),
)


def kernel(x, adj_t, y, W_in, b_in, W_h, b_h, W_out, b_out):
  src = adj_t[0]
  dst = adj_t[1]
  padv = jnp.full((EP - E,), NP - 1, dtype=jnp.int32)
  srcp = jnp.concatenate([src, padv]).reshape(EP // KCH, KCH)
  dstp = jnp.concatenate([dst, padv]).reshape(EP // KCH, KCH)
  xp = jnp.zeros((NP, D), jnp.float32).at[:N].set(x)

  W_out_p = jnp.zeros((H, H), jnp.float32).at[:, :C].set(W_out)

  segsum128 = _make_segsum(H)
  pd = _make_deg_kernel()(dstp)
  g1 = _a1(xp, W_in, pd)
  p1 = segsum128(g1, srcp, dstp)
  conv1, sums1 = _b128(p1, g1, pd, b_in)
  xin2, g2 = _a2(conv1, sums1, W_h, pd)
  p2 = segsum128(g2, srcp, dstp)
  conv2, sums2 = _b128(p2, g2, pd, b_h)
  g3 = _a3(conv2, sums2, xin2, W_out_p, pd)
  p3 = segsum128(g3, srcp, dstp)
  out = _b3(p3, g3, pd, b_out)
  return out[:N]

# --- scband reference (transcript-rebuilt; emitter-appended) ---
"""Pipeline reference for scband-bal-gnn-39333310497380 (READ-ONLY COPY).

The authoritative reference and input builder live on the scoring server;
editing this copy changes nothing except your own understanding.
"""

import jax, jax.numpy as jnp
import numpy as np

N = 10000
E = 320000
D = 128
H = 128
C = 64


def matrix_norm(x, epsilon=1e-06):
    mean = x.mean()
    std = jnp.std(x, ddof=1) + epsilon
    return (x - mean) / std


def gcn_conv(x, src, dst, W, b):
    # GCNConv with added self-loops and symmetric normalization:
    # out = D^{-1/2} (A + I) D^{-1/2} X W + b
    n = x.shape[0]
    loop = jnp.arange(n, dtype=src.dtype)
    s = jnp.concatenate([src, loop])
    d = jnp.concatenate([dst, loop])
    deg = jax.ops.segment_sum(jnp.ones(s.shape[0], dtype=x.dtype), d, num_segments=n)
    inv_sqrt = jnp.where(deg > 0, jax.lax.rsqrt(jnp.maximum(deg, 1e-12)), 0.0)
    norm = inv_sqrt[s] * inv_sqrt[d]
    h = x @ W
    msg = h[s] * norm[:, None]
    out = jax.ops.segment_sum(msg, d, num_segments=n)
    return out + b


def setup_inputs(seed: int = 0) -> dict:
    key = jax.random.key(seed)
    ks = jax.random.split(key, 10)
    x = jax.random.normal(ks[0], (N, D), dtype=jnp.float32)
    adj_t = jax.random.randint(ks[1], (2, E), 0, N, dtype=jnp.int32)
    y = jax.random.randint(ks[2], (N,), 0, C, dtype=jnp.int32)
    W_in = jax.random.normal(ks[3], (D, H), dtype=jnp.float32) * (1.0 / np.sqrt(D))
    b_in = jnp.zeros((H,), dtype=jnp.float32)
    W_h = jax.random.normal(ks[4], (H, H), dtype=jnp.float32) * (1.0 / np.sqrt(H))
    b_h = jnp.zeros((H,), dtype=jnp.float32)
    W_out = jax.random.normal(ks[5], (H, C), dtype=jnp.float32) * (1.0 / np.sqrt(H))
    b_out = jnp.zeros((C,), dtype=jnp.float32)
    return {"x": x, "adj_t": adj_t, "y": y, "W_in": W_in, "b_in": b_in, "W_h": W_h, "b_h": b_h, "W_out": W_out, "b_out": b_out}


def reference(x, adj_t, y, W_in, b_in, W_h, b_h, W_out, b_out):
    # eval mode: dropout is identity; MI_measure / infomax losses are sklearn-based
    # side effects not part of the returned tensor in the default path.
    src = adj_t[0]
    dst = adj_t[1]
    h = gcn_conv(x, src, dst, W_in, b_in)
    h = jax.nn.relu(matrix_norm(h))
    h_init = h
    # num_layers=3 -> one hidden GCN layer
    h = gcn_conv(h, src, dst, W_h, b_h)
    h = jax.nn.relu(matrix_norm(h))
    h = h + h_init
    out = gcn_conv(h, src, dst, W_out, b_out)
    return jax.nn.log_softmax(out, axis=1)

if __name__ == "__main__":
    import jax
    _d = setup_inputs()
    print(jax.jit(kernel)(*tuple(_d.values())))

</pallas_src>

<mosaic_0001>
#map = affine_map<(d0, d1) -> (0, 0)>
#map1 = affine_map<(d0, d1) -> (0, 0, 0)>
module attributes {stable_mosaic.version = 14 : i64} {
  func.func @seg(%arg0: i32, %arg1: i32, %arg2: memref<10240x128xf32, #tpu.memory_space<hbm>>, %arg3: memref<2560x128xi32, #tpu.memory_space<hbm>>, %arg4: memref<2560x128xi32, #tpu.memory_space<hbm>>, %arg5: memref<2x10240x128xf32, #tpu.memory_space<hbm>>, %arg6: memref<80x128xi32, #tpu.memory_space<vmem>>, %arg7: memref<80x128xi32, #tpu.memory_space<vmem>>, %arg8: memref<128x128xf32, #tpu.memory_space<vmem>>, %arg9: memref<10240x128xf32, #tpu.memory_space<vmem_shared>>, %arg10: memref<!tpu.dma_semaphore, #tpu.memory_space<semaphore_mem>>) attributes {dimension_semantics = [#tpu.dimension_semantics<core_parallel>, #tpu.dimension_semantics<subcore_parallel>], iteration_bounds = array<i64: 2, 16>, scalar_prefetch = 0 : i64, scratch_operands = 5 : i64, tpu.core_type = #tpu.core_type<sc_vector_subcore>, window_params = [{transform_indices = #map}, {transform_indices = #map}, {transform_indices = #map}, {transform_indices = #map1}]} {
    %mul3A = arith.constant 2 : i32
    %mul3A_0 = arith.muli %arg1, %mul3A : i32
    %add3A = arith.addi %mul3A_0, %arg0 : i32
    %mul3A_1 = arith.constant 80 : i32
    %mul3A_2 = arith.muli %add3A, %mul3A_1 : i32
    "tpu.region"() ({
      %run_scoped3A = tpu.sem_alloc : memref<!tpu.dma_semaphore, #tpu.memory_space<semaphore_mem>>
      %dma_start3A = arith.constant 0 : i32
      %dma_start3A_29 = tpu.memref_slice %arg3[%mul3A_2, %dma_start3A] : memref<2560x128xi32, #tpu.memory_space<hbm>> -> memref<80x128xi32, #tpu.memory_space<hbm>>
      %dma_start3A_30 = arith.constant 0 : i32
      %dma_start3A_31 = tpu.memref_slice %arg3[%mul3A_2, %dma_start3A_30] : memref<2560x128xi32, #tpu.memory_space<hbm>> -> memref<80x128xi32, #tpu.memory_space<hbm>>
      tpu.enqueue_dma source(%dma_start3A_31 : memref<80x128xi32, #tpu.memory_space<hbm>>) target(%arg6 : memref<80x128xi32, #tpu.memory_space<vmem>>) target_semaphore(%run_scoped3A : memref<!tpu.dma_semaphore, #tpu.memory_space<semaphore_mem>>)
      %dma_wait3A = arith.constant 0 : i32
      %dma_wait3A_32 = tpu.memref_slice %arg3[%mul3A_2, %dma_wait3A] : memref<2560x128xi32, #tpu.memory_space<hbm>> -> memref<80x128xi32, #tpu.memory_space<hbm>>
      %dma_wait3A_33 = arith.constant 0 : i32
      %dma_wait3A_34 = tpu.memref_slice %arg3[%mul3A_2, %dma_wait3A_33] : memref<2560x128xi32, #tpu.memory_space<hbm>> -> memref<80x128xi32, #tpu.memory_space<hbm>>
      tpu.wait_dma2 semaphore(%run_scoped3A : memref<!tpu.dma_semaphore, #tpu.memory_space<semaphore_mem>>) src(%dma_wait3A_34 : memref<80x128xi32, #tpu.memory_space<hbm>>) dst(%arg6 : memref<80x128xi32, #tpu.memory_space<vmem>>)
      tpu.yield
    }) : () -> ()
    %mul3A_3 = arith.constant 80 : i32
    %mul3A_4 = arith.muli %add3A, %mul3A_3 : i32
    "tpu.region"() ({
      %run_scoped3A = tpu.sem_alloc : memref<!tpu.dma_semaphore, #tpu.memory_space<semaphore_mem>>
      %dma_start3A = arith.constant 0 : i32
      %dma_start3A_29 = tpu.memref_slice %arg4[%mul3A_4, %dma_start3A] : memref<2560x128xi32, #tpu.memory_space<hbm>> -> memref<80x128xi32, #tpu.memory_space<hbm>>
      %dma_start3A_30 = arith.constant 0 : i32
      %dma_start3A_31 = tpu.memref_slice %arg4[%mul3A_4, %dma_start3A_30] : memref<2560x128xi32, #tpu.memory_space<hbm>> -> memref<80x128xi32, #tpu.memory_space<hbm>>
      tpu.enqueue_dma source(%dma_start3A_31 : memref<80x128xi32, #tpu.memory_space<hbm>>) target(%arg7 : memref<80x128xi32, #tpu.memory_space<vmem>>) target_semaphore(%run_scoped3A : memref<!tpu.dma_semaphore, #tpu.memory_space<semaphore_mem>>)
      %dma_wait3A = arith.constant 0 : i32
      %dma_wait3A_32 = tpu.memref_slice %arg4[%mul3A_4, %dma_wait3A] : memref<2560x128xi32, #tpu.memory_space<hbm>> -> memref<80x128xi32, #tpu.memory_space<hbm>>
      %dma_wait3A_33 = arith.constant 0 : i32
      %dma_wait3A_34 = tpu.memref_slice %arg4[%mul3A_4, %dma_wait3A_33] : memref<2560x128xi32, #tpu.memory_space<hbm>> -> memref<80x128xi32, #tpu.memory_space<hbm>>
      tpu.wait_dma2 semaphore(%run_scoped3A : memref<!tpu.dma_semaphore, #tpu.memory_space<semaphore_mem>>) src(%dma_wait3A_34 : memref<80x128xi32, #tpu.memory_space<hbm>>) dst(%arg7 : memref<80x128xi32, #tpu.memory_space<vmem>>)
      tpu.yield
    }) : () -> ()
    %scan3A = arith.constant 0 : i32
    %scan3A_5 = arith.constant 0 : i32
    %scan3A_6 = arith.constant 128 : i32
    %scan3A_7 = arith.addi %scan3A_5, %scan3A_6 : i32
    %scan3A_8 = arith.constant 1 : i32
    scf.for %scan3A_29 = %scan3A_5 to %scan3A_7 step %scan3A_8  : i32 {
      %scan3A_30 = arith.constant 0 : i32
      %scan3A_31 = arith.constant 8 : i32
      %scan3A_32 = arith.addi %scan3A_30, %scan3A_31 : i32
      %scan3A_33 = arith.constant 1 : i32
      scf.for %scan3A_35 = %scan3A_30 to %scan3A_32 step %scan3A_33  : i32 {
        %broadcast_in_dim3A = arith.constant 0.000000e+00 : f32
        %broadcast_in_dim3A_36 = vector.broadcast %broadcast_in_dim3A : f32 to vector<16xf32>
        %mul3A_37 = arith.constant 16 : i32
        %mul3A_38 = arith.muli %scan3A_35, %mul3A_37 : i32
        %swap3A = arith.index_cast %scan3A_29 : i32 to index
        %swap3A_39 = arith.index_cast %mul3A_38 : i32 to index
        %swap3A_40 = tpu.vector_load %arg8[%swap3A, %swap3A_39] {strides = array<i32>} : memref<128x128xf32, #tpu.memory_space<vmem>>, vector<1x16xf32>,
        %swap3A_41 = vector.shape_cast %swap3A_40 : vector<1x16xf32> to vector<16xf32>
        %swap3A_42 = vector.shape_cast %broadcast_in_dim3A_36 : vector<16xf32> to vector<1x16xf32>
        tpu.vector_store %arg8[%swap3A, %swap3A_39], %swap3A_42 {strides = array<i32>} : memref<128x128xf32, #tpu.memory_space<vmem>>, vector<1x16xf32>,
      }
      %scan3A_34 = arith.constant 8 : i32
    }
    %scan3A_9 = arith.constant 128 : i32
    %scan3A_10 = arith.constant 0 : i32
    %scan3A_11 = arith.constant 0 : i32
    %scan3A_12 = arith.constant 5 : i32
    %scan3A_13 = arith.addi %scan3A_11, %scan3A_12 : i32
    %scan3A_14 = arith.constant 1 : i32
    scf.for %scan3A_29 = %scan3A_11 to %scan3A_13 step %scan3A_14  : i32 {
      %mul3A_30 = arith.constant 640 : i32
      %mul3A_31 = arith.muli %arg1, %mul3A_30 : i32
      %mul3A_32 = arith.constant 128 : i32
      %mul3A_33 = arith.muli %scan3A_29, %mul3A_32 : i32
      %add3A_34 = arith.addi %mul3A_31, %mul3A_33 : i32
      "tpu.region"() ({
        %run_scoped3A = tpu.sem_alloc : memref<!tpu.dma_semaphore, #tpu.memory_space<semaphore_mem>>
        %dma_start3A = arith.constant 0 : i32
        %dma_start3A_35 = tpu.memref_slice %arg9[%add3A_34, %dma_start3A] : memref<10240x128xf32, #tpu.memory_space<vmem_shared>> -> memref<128x128xf32, #tpu.memory_space<vmem_shared>>
        %dma_start3A_36 = arith.constant 0 : i32
        %dma_start3A_37 = tpu.memref_slice %arg9[%add3A_34, %dma_start3A_36] : memref<10240x128xf32, #tpu.memory_space<vmem_shared>> -> memref<128x128xf32, #tpu.memory_space<vmem_shared>>
        tpu.enqueue_dma source(%arg8 : memref<128x128xf32, #tpu.memory_space<vmem>>) target(%dma_start3A_37 : memref<128x128xf32, #tpu.memory_space<vmem_shared>>) target_semaphore(%run_scoped3A : memref<!tpu.dma_semaphore, #tpu.memory_space<semaphore_mem>>)
        %dma_wait3A = arith.constant 0 : i32
        %dma_wait3A_38 = tpu.memref_slice %arg9[%add3A_34, %dma_wait3A] : memref<10240x128xf32, #tpu.memory_space<vmem_shared>> -> memref<128x128xf32, #tpu.memory_space<vmem_shared>>
        %dma_wait3A_39 = arith.constant 0 : i32
        %dma_wait3A_40 = tpu.memref_slice %arg9[%add3A_34, %dma_wait3A_39] : memref<10240x128xf32, #tpu.memory_space<vmem_shared>> -> memref<128x128xf32, #tpu.memory_space<vmem_shared>>
        tpu.wait_dma2 semaphore(%run_scoped3A : memref<!tpu.dma_semaphore, #tpu.memory_space<semaphore_mem>>) src(%arg8 : memref<128x128xf32, #tpu.memory_space<vmem>>) dst(%dma_wait3A_40 : memref<128x128xf32, #tpu.memory_space<vmem_shared>>)
        tpu.yield
      }) : () -> ()
    }
    %scan3A_15 = arith.constant 5 : i32
    %barrier3A = arith.constant 0 : index
    tpu.barrier barrier_id(%barrier3A)
    %scan3A_16 = arith.constant 0 : i32
    %scan3A_17 = arith.constant 0 : i32
    %scan3A_18 = arith.constant 80 : i32
    %scan3A_19 = arith.addi %scan3A_17, %scan3A_18 : i32
    %scan3A_20 = arith.constant 1 : i32
    scf.for %scan3A_29 = %scan3A_17 to %scan3A_19 step %scan3A_20  : i32 {
      %dma_start3A = arith.constant 0 : i32
      %dma_start3A_30 = tpu.memref_slice %arg6[%scan3A_29, %dma_start3A] : memref<80x128xi32, #tpu.memory_space<vmem>> -> memref<1x128xi32, #tpu.memory_space<vmem>>
      %dma_start3A_31 = tpu.memref_squeeze %dma_start3A_30 : memref<1x128xi32, #tpu.memory_space<vmem>> -> memref<128xi32, #tpu.memory_space<vmem>>
      %dma_start3A_32 = arith.constant 0 : i32
      %dma_start3A_33 = arith.constant 0 : i32
      %dma_start3A_34 = tpu.memref_slice %arg2[%dma_start3A_32, %dma_start3A_33] : memref<10240x128xf32, #tpu.memory_space<hbm>> -> memref<10240x128xf32, #tpu.memory_space<hbm>>
      tpu.enqueue_indirect_dma source(%dma_start3A_34 : memref<10240x128xf32, #tpu.memory_space<hbm>>) target(%arg8 : memref<128x128xf32, #tpu.memory_space<vmem>>) offsets(%dma_start3A_31 : memref<128xi32, #tpu.memory_space<vmem>>) semaphore(%arg10 : memref<!tpu.dma_semaphore, #tpu.memory_space<semaphore_mem>>)
      %dma_wait3A = arith.constant 0 : i32
      %dma_wait3A_35 = tpu.memref_slice %arg6[%scan3A_29, %dma_wait3A] : memref<80x128xi32, #tpu.memory_space<vmem>> -> memref<1x128xi32, #tpu.memory_space<vmem>>
      %dma_wait3A_36 = tpu.memref_squeeze %dma_wait3A_35 : memref<1x128xi32, #tpu.memory_space<vmem>> -> memref<128xi32, #tpu.memory_space<vmem>>
      %dma_wait3A_37 = arith.constant 0 : i32
      %dma_wait3A_38 = arith.constant 0 : i32
      %dma_wait3A_39 = tpu.memref_slice %arg2[%dma_wait3A_37, %dma_wait3A_38] : memref<10240x128xf32, #tpu.memory_space<hbm>> -> memref<10240x128xf32, #tpu.memory_space<hbm>>
      tpu.wait_indirect_dma semaphore(%arg10 : memref<!tpu.dma_semaphore, #tpu.memory_space<semaphore_mem>>) src(%dma_wait3A_39 : memref<10240x128xf32, #tpu.memory_space<hbm>>) dst(%arg8 : memref<128x128xf32, #tpu.memory_space<vmem>>)
      "tpu.region"() ({
        %run_scoped3A = tpu.sem_alloc : memref<!tpu.dma_semaphore, #tpu.memory_space<semaphore_mem>>
        %dma_start3A_40 = arith.constant 0 : i32
        %dma_start3A_41 = tpu.memref_slice %arg7[%scan3A_29, %dma_start3A_40] : memref<80x128xi32, #tpu.memory_space<vmem>> -> memref<1x128xi32, #tpu.memory_space<vmem>>
        %dma_start3A_42 = tpu.memref_squeeze %dma_start3A_41 : memref<1x128xi32, #tpu.memory_space<vmem>> -> memref<128xi32, #tpu.memory_space<vmem>>
        %dma_start3A_43 = arith.constant 0 : i32
        %dma_start3A_44 = arith.constant 0 : i32
        %dma_start3A_45 = tpu.memref_slice %arg9[%dma_start3A_43, %dma_start3A_44] : memref<10240x128xf32, #tpu.memory_space<vmem_shared>> -> memref<10240x128xf32, #tpu.memory_space<vmem_shared>>
        tpu.enqueue_indirect_dma source(%arg8 : memref<128x128xf32, #tpu.memory_space<vmem>>) target(%dma_start3A_45 : memref<10240x128xf32, #tpu.memory_space<vmem_shared>>) offsets(%dma_start3A_42 : memref<128xi32, #tpu.memory_space<vmem>>) semaphore(%run_scoped3A : memref<!tpu.dma_semaphore, #tpu.memory_space<semaphore_mem>>) {add = true}
        %dma_wait3A_46 = arith.constant 0 : i32
        %dma_wait3A_47 = tpu.memref_slice %arg7[%scan3A_29, %dma_wait3A_46] : memref<80x128xi32, #tpu.memory_space<vmem>> -> memref<1x128xi32, #tpu.memory_space<vmem>>
        %dma_wait3A_48 = tpu.memref_squeeze %dma_wait3A_47 : memref<1x128xi32, #tpu.memory_space<vmem>> -> memref<128xi32, #tpu.memory_space<vmem>>
        %dma_wait3A_49 = arith.constant 0 : i32
        %dma_wait3A_50 = arith.constant 0 : i32
        %dma_wait3A_51 = tpu.memref_slice %arg9[%dma_wait3A_49, %dma_wait3A_50] : memref<10240x128xf32, #tpu.memory_space<vmem_shared>> -> memref<10240x128xf32, #tpu.memory_space<vmem_shared>>
        tpu.wait_indirect_dma semaphore(%run_scoped3A : memref<!tpu.dma_semaphore, #tpu.memory_space<semaphore_mem>>) src(%arg8 : memref<128x128xf32, #tpu.memory_space<vmem>>) dst(%dma_wait3A_51 : memref<10240x128xf32, #tpu.memory_space<vmem_shared>>)
        tpu.yield
      }) : () -> ()
    }
    %scan3A_21 = arith.constant 80 : i32
    %barrier3A_22 = arith.constant 0 : index
    tpu.barrier barrier_id(%barrier3A_22)
    %scan3A_23 = arith.constant 0 : i32
    %scan3A_24 = arith.constant 0 : i32
    %scan3A_25 = arith.constant 5 : i32
    %scan3A_26 = arith.addi %scan3A_24, %scan3A_25 : i32
    %scan3A_27 = arith.constant 1 : i32
    scf.for %scan3A_29 = %scan3A_24 to %scan3A_26 step %scan3A_27  : i32 {
      %mul3A_30 = arith.constant 640 : i32
      %mul3A_31 = arith.muli %arg1, %mul3A_30 : i32
      %mul3A_32 = arith.constant 128 : i32
      %mul3A_33 = arith.muli %scan3A_29, %mul3A_32 : i32
      %add3A_34 = arith.addi %mul3A_31, %mul3A_33 : i32
      %mul3A_35 = arith.constant 640 : i32
      %mul3A_36 = arith.muli %arg1, %mul3A_35 : i32
      %mul3A_37 = arith.constant 128 : i32
      %mul3A_38 = arith.muli %scan3A_29, %mul3A_37 : i32
      %add3A_39 = arith.addi %mul3A_36, %mul3A_38 : i32
      "tpu.region"() ({
        %run_scoped3A = tpu.sem_alloc : memref<!tpu.dma_semaphore, #tpu.memory_space<semaphore_mem>>
        %dma_start3A = arith.constant 0 : i32
        %dma_start3A_40 = tpu.memref_slice %arg5[%arg0, %add3A_39, %dma_start3A] : memref<2x10240x128xf32, #tpu.memory_space<hbm>> -> memref<1x128x128xf32, #tpu.memory_space<hbm>>
        %dma_start3A_41 = tpu.memref_squeeze %dma_start3A_40 : memref<1x128x128xf32, #tpu.memory_space<hbm>> -> memref<128x128xf32, #tpu.memory_space<hbm>>
        %dma_start3A_42 = arith.constant 0 : i32
        %dma_start3A_43 = tpu.memref_slice %arg9[%add3A_34, %dma_start3A_42] : memref<10240x128xf32, #tpu.memory_space<vmem_shared>> -> memref<128x128xf32, #tpu.memory_space<vmem_shared>>
        tpu.enqueue_dma source(%dma_start3A_43 : memref<128x128xf32, #tpu.memory_space<vmem_shared>>) target(%dma_start3A_41 : memref<128x128xf32, #tpu.memory_space<hbm>>) target_semaphore(%run_scoped3A : memref<!tpu.dma_semaphore, #tpu.memory_space<semaphore_mem>>)
        %dma_wait3A = arith.constant 0 : i32
        %dma_wait3A_44 = tpu.memref_slice %arg5[%arg0, %add3A_39, %dma_wait3A] : memref<2x10240x128xf32, #tpu.memory_space<hbm>> -> memref<1x128x128xf32, #tpu.memory_space<hbm>>
        %dma_wait3A_45 = tpu.memref_squeeze %dma_wait3A_44 : memref<1x128x128xf32, #tpu.memory_space<hbm>> -> memref<128x128xf32, #tpu.memory_space<hbm>>
        %dma_wait3A_46 = arith.constant 0 : i32
        %dma_wait3A_47 = tpu.memref_slice %arg9[%add3A_34, %dma_wait3A_46] : memref<10240x128xf32, #tpu.memory_space<vmem_shared>> -> memref<128x128xf32, #tpu.memory_space<vmem_shared>>
        tpu.wait_dma2 semaphore(%run_scoped3A : memref<!tpu.dma_semaphore, #tpu.memory_space<semaphore_mem>>) src(%dma_wait3A_47 : memref<128x128xf32, #tpu.memory_space<vmem_shared>>) dst(%dma_wait3A_45 : memref<128x128xf32, #tpu.memory_space<hbm>>)
        tpu.yield
      }) : () -> ()
    }
    %scan3A_28 = arith.constant 5 : i32
    return
  }
}

#map = affine_map<(d0, d1) -> (0, 0)>
#map1 = affine_map<(d0, d1) -> (0, 0, 0)>
module attributes {stable_mosaic.version = 14 : i64} {
  func.func @_deg_kernel(%arg0: i32, %arg1: i32, %arg2: memref<2560x128xi32, #tpu.memory_space<hbm>>, %arg3: memref<2x10240x16xf32, #tpu.memory_space<hbm>>, %arg4: memref<80x128xi32, #tpu.memory_space<vmem>>, %arg5: memref<128x16xf32, #tpu.memory_space<vmem>>, %arg6: memref<10240x16xf32, #tpu.memory_space<vmem_shared>>) attributes {dimension_semantics = [#tpu.dimension_semantics<core_parallel>, #tpu.dimension_semantics<subcore_parallel>], iteration_bounds = array<i64: 2, 16>, scalar_prefetch = 0 : i64, scratch_operands = 3 : i64, tpu.core_type = #tpu.core_type<sc_vector_subcore>, window_params = [{transform_indices = #map}, {transform_indices = #map1}]} {
    %mul3A = arith.constant 2 : i32
    %mul3A_0 = arith.muli %arg1, %mul3A : i32
    %add3A = arith.addi %mul3A_0, %arg0 : i32
    %mul3A_1 = arith.constant 80 : i32
    %mul3A_2 = arith.muli %add3A, %mul3A_1 : i32
    "tpu.region"() ({
      %run_scoped3A = tpu.sem_alloc : memref<!tpu.dma_semaphore, #tpu.memory_space<semaphore_mem>>
      %dma_start3A = arith.constant 0 : i32
      %dma_start3A_33 = tpu.memref_slice %arg2[%mul3A_2, %dma_start3A] : memref<2560x128xi32, #tpu.memory_space<hbm>> -> memref<80x128xi32, #tpu.memory_space<hbm>>
      %dma_start3A_34 = arith.constant 0 : i32
      %dma_start3A_35 = tpu.memref_slice %arg2[%mul3A_2, %dma_start3A_34] : memref<2560x128xi32, #tpu.memory_space<hbm>> -> memref<80x128xi32, #tpu.memory_space<hbm>>
      tpu.enqueue_dma source(%dma_start3A_35 : memref<80x128xi32, #tpu.memory_space<hbm>>) target(%arg4 : memref<80x128xi32, #tpu.memory_space<vmem>>) target_semaphore(%run_scoped3A : memref<!tpu.dma_semaphore, #tpu.memory_space<semaphore_mem>>)
      %dma_wait3A = arith.constant 0 : i32
      %dma_wait3A_36 = tpu.memref_slice %arg2[%mul3A_2, %dma_wait3A] : memref<2560x128xi32, #tpu.memory_space<hbm>> -> memref<80x128xi32, #tpu.memory_space<hbm>>
      %dma_wait3A_37 = arith.constant 0 : i32
      %dma_wait3A_38 = tpu.memref_slice %arg2[%mul3A_2, %dma_wait3A_37] : memref<2560x128xi32, #tpu.memory_space<hbm>> -> memref<80x128xi32, #tpu.memory_space<hbm>>
      tpu.wait_dma2 semaphore(%run_scoped3A : memref<!tpu.dma_semaphore, #tpu.memory_space<semaphore_mem>>) src(%dma_wait3A_38 : memref<80x128xi32, #tpu.memory_space<hbm>>) dst(%arg4 : memref<80x128xi32, #tpu.memory_space<vmem>>)
      tpu.yield
    }) : () -> ()
    %scan3A = arith.constant 0 : i32
    %scan3A_3 = arith.constant 0 : i32
    %scan3A_4 = arith.constant 128 : i32
    %scan3A_5 = arith.addi %scan3A_3, %scan3A_4 : i32
    %scan3A_6 = arith.constant 1 : i32
    scf.for %scan3A_33 = %scan3A_3 to %scan3A_5 step %scan3A_6  : i32 {
      %broadcast_in_dim3A = arith.constant 0.000000e+00 : f32
      %broadcast_in_dim3A_34 = vector.broadcast %broadcast_in_dim3A : f32 to vector<16xf32>
      %swap3A = arith.index_cast %scan3A_33 : i32 to index
      %swap3A_35 = arith.constant 0 : index
      %swap3A_36 = tpu.vector_load %arg5[%swap3A, %swap3A_35] {strides = array<i32>} : memref<128x16xf32, #tpu.memory_space<vmem>>, vector<1x16xf32>,
      %swap3A_37 = vector.shape_cast %swap3A_36 : vector<1x16xf32> to vector<16xf32>
      %swap3A_38 = vector.shape_cast %broadcast_in_dim3A_34 : vector<16xf32> to vector<1x16xf32>
      tpu.vector_store %arg5[%swap3A, %swap3A_35], %swap3A_38 {strides = array<i32>} : memref<128x16xf32, #tpu.memory_space<vmem>>, vector<1x16xf32>,
    }
    %scan3A_7 = arith.constant 128 : i32
    %scan3A_8 = arith.constant 0 : i32
    %scan3A_9 = arith.constant 0 : i32
    %scan3A_10 = arith.constant 5 : i32
    %scan3A_11 = arith.addi %scan3A_9, %scan3A_10 : i32
    %scan3A_12 = arith.constant 1 : i32
    scf.for %scan3A_33 = %scan3A_9 to %scan3A_11 step %scan3A_12  : i32 {
      %mul3A_34 = arith.constant 640 : i32
      %mul3A_35 = arith.muli %arg1, %mul3A_34 : i32
      %mul3A_36 = arith.constant 128 : i32
      %mul3A_37 = arith.muli %scan3A_33, %mul3A_36 : i32
      %add3A_38 = arith.addi %mul3A_35, %mul3A_37 : i32
      "tpu.region"() ({
        %run_scoped3A = tpu.sem_alloc : memref<!tpu.dma_semaphore, #tpu.memory_space<semaphore_mem>>
        %dma_start3A = arith.constant 0 : i32
        %dma_start3A_39 = tpu.memref_slice %arg6[%add3A_38, %dma_start3A] : memref<10240x16xf32, #tpu.memory_space<vmem_shared>> -> memref<128x16xf32, #tpu.memory_space<vmem_shared>>
        %dma_start3A_40 = arith.constant 0 : i32
        %dma_start3A_41 = tpu.memref_slice %arg6[%add3A_38, %dma_start3A_40] : memref<10240x16xf32, #tpu.memory_space<vmem_shared>> -> memref<128x16xf32, #tpu.memory_space<vmem_shared>>
        tpu.enqueue_dma source(%arg5 : memref<128x16xf32, #tpu.memory_space<vmem>>) target(%dma_start3A_41 : memref<128x16xf32, #tpu.memory_space<vmem_shared>>) target_semaphore(%run_scoped3A : memref<!tpu.dma_semaphore, #tpu.memory_space<semaphore_mem>>)
        %dma_wait3A = arith.constant 0 : i32
        %dma_wait3A_42 = tpu.memref_slice %arg6[%add3A_38, %dma_wait3A] : memref<10240x16xf32, #tpu.memory_space<vmem_shared>> -> memref<128x16xf32, #tpu.memory_space<vmem_shared>>
        %dma_wait3A_43 = arith.constant 0 : i32
        %dma_wait3A_44 = tpu.memref_slice %arg6[%add3A_38, %dma_wait3A_43] : memref<10240x16xf32, #tpu.memory_space<vmem_shared>> -> memref<128x16xf32, #tpu.memory_space<vmem_shared>>
        tpu.wait_dma2 semaphore(%run_scoped3A : memref<!tpu.dma_semaphore, #tpu.memory_space<semaphore_mem>>) src(%arg5 : memref<128x16xf32, #tpu.memory_space<vmem>>) dst(%dma_wait3A_44 : memref<128x16xf32, #tpu.memory_space<vmem_shared>>)
        tpu.yield
      }) : () -> ()
    }
    %scan3A_13 = arith.constant 5 : i32
    %scan3A_14 = arith.constant 0 : i32
    %scan3A_15 = arith.constant 0 : i32
    %scan3A_16 = arith.constant 128 : i32
    %scan3A_17 = arith.addi %scan3A_15, %scan3A_16 : i32
    %scan3A_18 = arith.constant 1 : i32
    scf.for %scan3A_33 = %scan3A_15 to %scan3A_17 step %scan3A_18  : i32 {
      %broadcast_in_dim3A = arith.constant 1.000000e+00 : f32
      %broadcast_in_dim3A_34 = vector.broadcast %broadcast_in_dim3A : f32 to vector<16xf32>
      %swap3A = arith.index_cast %scan3A_33 : i32 to index
      %swap3A_35 = arith.constant 0 : index
      %swap3A_36 = tpu.vector_load %arg5[%swap3A, %swap3A_35] {strides = array<i32>} : memref<128x16xf32, #tpu.memory_space<vmem>>, vector<1x16xf32>,
      %swap3A_37 = vector.shape_cast %swap3A_36 : vector<1x16xf32> to vector<16xf32>
      %swap3A_38 = vector.shape_cast %broadcast_in_dim3A_34 : vector<16xf32> to vector<1x16xf32>
      tpu.vector_store %arg5[%swap3A, %swap3A_35], %swap3A_38 {strides = array<i32>} : memref<128x16xf32, #tpu.memory_space<vmem>>, vector<1x16xf32>,
    }
    %scan3A_19 = arith.constant 128 : i32
    %barrier3A = arith.constant 0 : index
    tpu.barrier barrier_id(%barrier3A)
    %scan3A_20 = arith.constant 0 : i32
    %scan3A_21 = arith.constant 0 : i32
    %scan3A_22 = arith.constant 80 : i32
    %scan3A_23 = arith.addi %scan3A_21, %scan3A_22 : i32
    %scan3A_24 = arith.constant 1 : i32
    scf.for %scan3A_33 = %scan3A_21 to %scan3A_23 step %scan3A_24  : i32 {
      "tpu.region"() ({
        %run_scoped3A = tpu.sem_alloc : memref<!tpu.dma_semaphore, #tpu.memory_space<semaphore_mem>>
        %dma_start3A = arith.constant 0 : i32
        %dma_start3A_34 = tpu.memref_slice %arg4[%scan3A_33, %dma_start3A] : memref<80x128xi32, #tpu.memory_space<vmem>> -> memref<1x128xi32, #tpu.memory_space<vmem>>
        %dma_start3A_35 = tpu.memref_squeeze %dma_start3A_34 : memref<1x128xi32, #tpu.memory_space<vmem>> -> memref<128xi32, #tpu.memory_space<vmem>>
        %dma_start3A_36 = arith.constant 0 : i32
        %dma_start3A_37 = arith.constant 0 : i32
        %dma_start3A_38 = tpu.memref_slice %arg6[%dma_start3A_36, %dma_start3A_37] : memref<10240x16xf32, #tpu.memory_space<vmem_shared>> -> memref<10240x16xf32, #tpu.memory_space<vmem_shared>>
        tpu.enqueue_indirect_dma source(%arg5 : memref<128x16xf32, #tpu.memory_space<vmem>>) target(%dma_start3A_38 : memref<10240x16xf32, #tpu.memory_space<vmem_shared>>) offsets(%dma_start3A_35 : memref<128xi32, #tpu.memory_space<vmem>>) semaphore(%run_scoped3A : memref<!tpu.dma_semaphore, #tpu.memory_space<semaphore_mem>>) {add = true}
        %dma_wait3A = arith.constant 0 : i32
        %dma_wait3A_39 = tpu.memref_slice %arg4[%scan3A_33, %dma_wait3A] : memref<80x128xi32, #tpu.memory_space<vmem>> -> memref<1x128xi32, #tpu.memory_space<vmem>>
        %dma_wait3A_40 = tpu.memref_squeeze %dma_wait3A_39 : memref<1x128xi32, #tpu.memory_space<vmem>> -> memref<128xi32, #tpu.memory_space<vmem>>
        %dma_wait3A_41 = arith.constant 0 : i32
        %dma_wait3A_42 = arith.constant 0 : i32
        %dma_wait3A_43 = tpu.memref_slice %arg6[%dma_wait3A_41, %dma_wait3A_42] : memref<10240x16xf32, #tpu.memory_space<vmem_shared>> -> memref<10240x16xf32, #tpu.memory_space<vmem_shared>>
        tpu.wait_indirect_dma semaphore(%run_scoped3A : memref<!tpu.dma_semaphore, #tpu.memory_space<semaphore_mem>>) src(%arg5 : memref<128x16xf32, #tpu.memory_space<vmem>>) dst(%dma_wait3A_43 : memref<10240x16xf32, #tpu.memory_space<vmem_shared>>)
        tpu.yield
      }) : () -> ()
    }
    %scan3A_25 = arith.constant 80 : i32
    %barrier3A_26 = arith.constant 0 : index
    tpu.barrier barrier_id(%barrier3A_26)
    %scan3A_27 = arith.constant 0 : i32
    %scan3A_28 = arith.constant 0 : i32
    %scan3A_29 = arith.constant 5 : i32
    %scan3A_30 = arith.addi %scan3A_28, %scan3A_29 : i32
    %scan3A_31 = arith.constant 1 : i32
    scf.for %scan3A_33 = %scan3A_28 to %scan3A_30 step %scan3A_31  : i32 {
      %mul3A_34 = arith.constant 640 : i32
      %mul3A_35 = arith.muli %arg1, %mul3A_34 : i32
      %mul3A_36 = arith.constant 128 : i32
      %mul3A_37 = arith.muli %scan3A_33, %mul3A_36 : i32
      %add3A_38 = arith.addi %mul3A_35, %mul3A_37 : i32
      %mul3A_39 = arith.constant 640 : i32
      %mul3A_40 = arith.muli %arg1, %mul3A_39 : i32
      %mul3A_41 = arith.constant 128 : i32
      %mul3A_42 = arith.muli %scan3A_33, %mul3A_41 : i32
      %add3A_43 = arith.addi %mul3A_40, %mul3A_42 : i32
      "tpu.region"() ({
        %run_scoped3A = tpu.sem_alloc : memref<!tpu.dma_semaphore, #tpu.memory_space<semaphore_mem>>
        %dma_start3A = arith.constant 0 : i32
        %dma_start3A_44 = tpu.memref_slice %arg3[%arg0, %add3A_43, %dma_start3A] : memref<2x10240x16xf32, #tpu.memory_space<hbm>> -> memref<1x128x16xf32, #tpu.memory_space<hbm>>
        %dma_start3A_45 = tpu.memref_squeeze %dma_start3A_44 : memref<1x128x16xf32, #tpu.memory_space<hbm>> -> memref<128x16xf32, #tpu.memory_space<hbm>>
        %dma_start3A_46 = arith.constant 0 : i32
        %dma_start3A_47 = tpu.memref_slice %arg6[%add3A_38, %dma_start3A_46] : memref<10240x16xf32, #tpu.memory_space<vmem_shared>> -> memref<128x16xf32, #tpu.memory_space<vmem_shared>>
        tpu.enqueue_dma source(%dma_start3A_47 : memref<128x16xf32, #tpu.memory_space<vmem_shared>>) target(%dma_start3A_45 : memref<128x16xf32, #tpu.memory_space<hbm>>) target_semaphore(%run_scoped3A : memref<!tpu.dma_semaphore, #tpu.memory_space<semaphore_mem>>)
        %dma_wait3A = arith.constant 0 : i32
        %dma_wait3A_48 = tpu.memref_slice %arg3[%arg0, %add3A_43, %dma_wait3A] : memref<2x10240x16xf32, #tpu.memory_space<hbm>> -> memref<1x128x16xf32, #tpu.memory_space<hbm>>
        %dma_wait3A_49 = tpu.memref_squeeze %dma_wait3A_48 : memref<1x128x16xf32, #tpu.memory_space<hbm>> -> memref<128x16xf32, #tpu.memory_space<hbm>>
        %dma_wait3A_50 = arith.constant 0 : i32
        %dma_wait3A_51 = tpu.memref_slice %arg6[%add3A_38, %dma_wait3A_50] : memref<10240x16xf32, #tpu.memory_space<vmem_shared>> -> memref<128x16xf32, #tpu.memory_space<vmem_shared>>
        tpu.wait_dma2 semaphore(%run_scoped3A : memref<!tpu.dma_semaphore, #tpu.memory_space<semaphore_mem>>) src(%dma_wait3A_51 : memref<128x16xf32, #tpu.memory_space<vmem_shared>>) dst(%dma_wait3A_49 : memref<128x16xf32, #tpu.memory_space<hbm>>)
        tpu.yield
      }) : () -> ()
    }
    %scan3A_32 = arith.constant 5 : i32
    return
  }
}

#map = affine_map<(d0, d1) -> (0, 0)>
#map1 = affine_map<(d0, d1) -> (0, 0, 0)>
module attributes {stable_mosaic.version = 14 : i64} {
  func.func @seg(%arg0: i32, %arg1: i32, %arg2: memref<10240x128xf32, #tpu.memory_space<hbm>>, %arg3: memref<2560x128xi32, #tpu.memory_space<hbm>>, %arg4: memref<2560x128xi32, #tpu.memory_space<hbm>>, %arg5: memref<2x10240x128xf32, #tpu.memory_space<hbm>>, %arg6: memref<80x128xi32, #tpu.memory_space<vmem>>, %arg7: memref<80x128xi32, #tpu.memory_space<vmem>>, %arg8: memref<128x128xf32, #tpu.memory_space<vmem>>, %arg9: memref<10240x128xf32, #tpu.memory_space<vmem_shared>>, %arg10: memref<!tpu.dma_semaphore, #tpu.memory_space<semaphore_mem>>) attributes {dimension_semantics = [#tpu.dimension_semantics<core_parallel>, #tpu.dimension_semantics<subcore_parallel>], iteration_bounds = array<i64: 2, 16>, scalar_prefetch = 0 : i64, scratch_operands = 5 : i64, tpu.core_type = #tpu.core_type<sc_vector_subcore>, window_params = [{transform_indices = #map}, {transform_indices = #map}, {transform_indices = #map}, {transform_indices = #map1}]} {
    %mul3A = arith.constant 2 : i32
    %mul3A_0 = arith.muli %arg1, %mul3A : i32
    %add3A = arith.addi %mul3A_0, %arg0 : i32
    %mul3A_1 = arith.constant 80 : i32
    %mul3A_2 = arith.muli %add3A, %mul3A_1 : i32
    "tpu.region"() ({
      %run_scoped3A = tpu.sem_alloc : memref<!tpu.dma_semaphore, #tpu.memory_space<semaphore_mem>>
      %dma_start3A = arith.constant 0 : i32
      %dma_start3A_29 = tpu.memref_slice %arg3[%mul3A_2, %dma_start3A] : memref<2560x128xi32, #tpu.memory_space<hbm>> -> memref<80x128xi32, #tpu.memory_space<hbm>>
      %dma_start3A_30 = arith.constant 0 : i32
      %dma_start3A_31 = tpu.memref_slice %arg3[%mul3A_2, %dma_start3A_30] : memref<2560x128xi32, #tpu.memory_space<hbm>> -> memref<80x128xi32, #tpu.memory_space<hbm>>
      tpu.enqueue_dma source(%dma_start3A_31 : memref<80x128xi32, #tpu.memory_space<hbm>>) target(%arg6 : memref<80x128xi32, #tpu.memory_space<vmem>>) target_semaphore(%run_scoped3A : memref<!tpu.dma_semaphore, #tpu.memory_space<semaphore_mem>>)
      %dma_wait3A = arith.constant 0 : i32
      %dma_wait3A_32 = tpu.memref_slice %arg3[%mul3A_2, %dma_wait3A] : memref<2560x128xi32, #tpu.memory_space<hbm>> -> memref<80x128xi32, #tpu.memory_space<hbm>>
      %dma_wait3A_33 = arith.constant 0 : i32
      %dma_wait3A_34 = tpu.memref_slice %arg3[%mul3A_2, %dma_wait3A_33] : memref<2560x128xi32, #tpu.memory_space<hbm>> -> memref<80x128xi32, #tpu.memory_space<hbm>>
      tpu.wait_dma2 semaphore(%run_scoped3A : memref<!tpu.dma_semaphore, #tpu.memory_space<semaphore_mem>>) src(%dma_wait3A_34 : memref<80x128xi32, #tpu.memory_space<hbm>>) dst(%arg6 : memref<80x128xi32, #tpu.memory_space<vmem>>)
      tpu.yield
    }) : () -> ()
    %mul3A_3 = arith.constant 80 : i32
    %mul3A_4 = arith.muli %add3A, %mul3A_3 : i32
    "tpu.region"() ({
      %run_scoped3A = tpu.sem_alloc : memref<!tpu.dma_semaphore, #tpu.memory_space<semaphore_mem>>
      %dma_start3A = arith.constant 0 : i32
      %dma_start3A_29 = tpu.memref_slice %arg4[%mul3A_4, %dma_start3A] : memref<2560x128xi32, #tpu.memory_space<hbm>> -> memref<80x128xi32, #tpu.memory_space<hbm>>
      %dma_start3A_30 = arith.constant 0 : i32
      %dma_start3A_31 = tpu.memref_slice %arg4[%mul3A_4, %dma_start3A_30] : memref<2560x128xi32, #tpu.memory_space<hbm>> -> memref<80x128xi32, #tpu.memory_space<hbm>>
      tpu.enqueue_dma source(%dma_start3A_31 : memref<80x128xi32, #tpu.memory_space<hbm>>) target(%arg7 : memref<80x128xi32, #tpu.memory_space<vmem>>) target_semaphore(%run_scoped3A : memref<!tpu.dma_semaphore, #tpu.memory_space<semaphore_mem>>)
      %dma_wait3A = arith.constant 0 : i32
      %dma_wait3A_32 = tpu.memref_slice %arg4[%mul3A_4, %dma_wait3A] : memref<2560x128xi32, #tpu.memory_space<hbm>> -> memref<80x128xi32, #tpu.memory_space<hbm>>
      %dma_wait3A_33 = arith.constant 0 : i32
      %dma_wait3A_34 = tpu.memref_slice %arg4[%mul3A_4, %dma_wait3A_33] : memref<2560x128xi32, #tpu.memory_space<hbm>> -> memref<80x128xi32, #tpu.memory_space<hbm>>
      tpu.wait_dma2 semaphore(%run_scoped3A : memref<!tpu.dma_semaphore, #tpu.memory_space<semaphore_mem>>) src(%dma_wait3A_34 : memref<80x128xi32, #tpu.memory_space<hbm>>) dst(%arg7 : memref<80x128xi32, #tpu.memory_space<vmem>>)
      tpu.yield
    }) : () -> ()
    %scan3A = arith.constant 0 : i32
    %scan3A_5 = arith.constant 0 : i32
    %scan3A_6 = arith.constant 128 : i32
    %scan3A_7 = arith.addi %scan3A_5, %scan3A_6 : i32
    %scan3A_8 = arith.constant 1 : i32
    scf.for %scan3A_29 = %scan3A_5 to %scan3A_7 step %scan3A_8  : i32 {
      %scan3A_30 = arith.constant 0 : i32
      %scan3A_31 = arith.constant 8 : i32
      %scan3A_32 = arith.addi %scan3A_30, %scan3A_31 : i32
      %scan3A_33 = arith.constant 1 : i32
      scf.for %scan3A_35 = %scan3A_30 to %scan3A_32 step %scan3A_33  : i32 {
        %broadcast_in_dim3A = arith.constant 0.000000e+00 : f32
        %broadcast_in_dim3A_36 = vector.broadcast %broadcast_in_dim3A : f32 to vector<16xf32>
        %mul3A_37 = arith.constant 16 : i32
        %mul3A_38 = arith.muli %scan3A_35, %mul3A_37 : i32
        %swap3A = arith.index_cast %scan3A_29 : i32 to index
        %swap3A_39 = arith.index_cast %mul3A_38 : i32 to index
        %swap3A_40 = tpu.vector_load %arg8[%swap3A, %swap3A_39] {strides = array<i32>} : memref<128x128xf32, #tpu.memory_space<vmem>>, vector<1x16xf32>,
        %swap3A_41 = vector.shape_cast %swap3A_40 : vector<1x16xf32> to vector<16xf32>
        %swap3A_42 = vector.shape_cast %broadcast_in_dim3A_36 : vector<16xf32> to vector<1x16xf32>
        tpu.vector_store %arg8[%swap3A, %swap3A_39], %swap3A_42 {strides = array<i32>} : memref<128x128xf32, #tpu.memory_space<vmem>>, vector<1x16xf32>,
      }
      %scan3A_34 = arith.constant 8 : i32
    }
    %scan3A_9 = arith.constant 128 : i32
    %scan3A_10 = arith.constant 0 : i32
    %scan3A_11 = arith.constant 0 : i32
    %scan3A_12 = arith.constant 5 : i32
    %scan3A_13 = arith.addi %scan3A_11, %scan3A_12 : i32
    %scan3A_14 = arith.constant 1 : i32
    scf.for %scan3A_29 = %scan3A_11 to %scan3A_13 step %scan3A_14  : i32 {
      %mul3A_30 = arith.constant 640 : i32
      %mul3A_31 = arith.muli %arg1, %mul3A_30 : i32
      %mul3A_32 = arith.constant 128 : i32
      %mul3A_33 = arith.muli %scan3A_29, %mul3A_32 : i32
      %add3A_34 = arith.addi %mul3A_31, %mul3A_33 : i32
      "tpu.region"() ({
        %run_scoped3A = tpu.sem_alloc : memref<!tpu.dma_semaphore, #tpu.memory_space<semaphore_mem>>
        %dma_start3A = arith.constant 0 : i32
        %dma_start3A_35 = tpu.memref_slice %arg9[%add3A_34, %dma_start3A] : memref<10240x128xf32, #tpu.memory_space<vmem_shared>> -> memref<128x128xf32, #tpu.memory_space<vmem_shared>>
        %dma_start3A_36 = arith.constant 0 : i32
        %dma_start3A_37 = tpu.memref_slice %arg9[%add3A_34, %dma_start3A_36] : memref<10240x128xf32, #tpu.memory_space<vmem_shared>> -> memref<128x128xf32, #tpu.memory_space<vmem_shared>>
        tpu.enqueue_dma source(%arg8 : memref<128x128xf32, #tpu.memory_space<vmem>>) target(%dma_start3A_37 : memref<128x128xf32, #tpu.memory_space<vmem_shared>>) target_semaphore(%run_scoped3A : memref<!tpu.dma_semaphore, #tpu.memory_space<semaphore_mem>>)
        %dma_wait3A = arith.constant 0 : i32
        %dma_wait3A_38 = tpu.memref_slice %arg9[%add3A_34, %dma_wait3A] : memref<10240x128xf32, #tpu.memory_space<vmem_shared>> -> memref<128x128xf32, #tpu.memory_space<vmem_shared>>
        %dma_wait3A_39 = arith.constant 0 : i32
        %dma_wait3A_40 = tpu.memref_slice %arg9[%add3A_34, %dma_wait3A_39] : memref<10240x128xf32, #tpu.memory_space<vmem_shared>> -> memref<128x128xf32, #tpu.memory_space<vmem_shared>>
        tpu.wait_dma2 semaphore(%run_scoped3A : memref<!tpu.dma_semaphore, #tpu.memory_space<semaphore_mem>>) src(%arg8 : memref<128x128xf32, #tpu.memory_space<vmem>>) dst(%dma_wait3A_40 : memref<128x128xf32, #tpu.memory_space<vmem_shared>>)
        tpu.yield
      }) : () -> ()
    }
    %scan3A_15 = arith.constant 5 : i32
    %barrier3A = arith.constant 0 : index
    tpu.barrier barrier_id(%barrier3A)
    %scan3A_16 = arith.constant 0 : i32
    %scan3A_17 = arith.constant 0 : i32
    %scan3A_18 = arith.constant 80 : i32
    %scan3A_19 = arith.addi %scan3A_17, %scan3A_18 : i32
    %scan3A_20 = arith.constant 1 : i32
    scf.for %scan3A_29 = %scan3A_17 to %scan3A_19 step %scan3A_20  : i32 {
      %dma_start3A = arith.constant 0 : i32
      %dma_start3A_30 = tpu.memref_slice %arg6[%scan3A_29, %dma_start3A] : memref<80x128xi32, #tpu.memory_space<vmem>> -> memref<1x128xi32, #tpu.memory_space<vmem>>
      %dma_start3A_31 = tpu.memref_squeeze %dma_start3A_30 : memref<1x128xi32, #tpu.memory_space<vmem>> -> memref<128xi32, #tpu.memory_space<vmem>>
      %dma_start3A_32 = arith.constant 0 : i32
      %dma_start3A_33 = arith.constant 0 : i32
      %dma_start3A_34 = tpu.memref_slice %arg2[%dma_start3A_32, %dma_start3A_33] : memref<10240x128xf32, #tpu.memory_space<hbm>> -> memref<10240x128xf32, #tpu.memory_space<hbm>>
      tpu.enqueue_indirect_dma source(%dma_start3A_34 : memref<10240x128xf32, #tpu.memory_space<hbm>>) target(%arg8 : memref<128x128xf32, #tpu.memory_space<vmem>>) offsets(%dma_start3A_31 : memref<128xi32, #tpu.memory_space<vmem>>) semaphore(%arg10 : memref<!tpu.dma_semaphore, #tpu.memory_space<semaphore_mem>>)
      %dma_wait3A = arith.constant 0 : i32
      %dma_wait3A_35 = tpu.memref_slice %arg6[%scan3A_29, %dma_wait3A] : memref<80x128xi32, #tpu.memory_space<vmem>> -> memref<1x128xi32, #tpu.memory_space<vmem>>
      %dma_wait3A_36 = tpu.memref_squeeze %dma_wait3A_35 : memref<1x128xi32, #tpu.memory_space<vmem>> -> memref<128xi32, #tpu.memory_space<vmem>>
      %dma_wait3A_37 = arith.constant 0 : i32
      %dma_wait3A_38 = arith.constant 0 : i32
      %dma_wait3A_39 = tpu.memref_slice %arg2[%dma_wait3A_37, %dma_wait3A_38] : memref<10240x128xf32, #tpu.memory_space<hbm>> -> memref<10240x128xf32, #tpu.memory_space<hbm>>
      tpu.wait_indirect_dma semaphore(%arg10 : memref<!tpu.dma_semaphore, #tpu.memory_space<semaphore_mem>>) src(%dma_wait3A_39 : memref<10240x128xf32, #tpu.memory_space<hbm>>) dst(%arg8 : memref<128x128xf32, #tpu.memory_space<vmem>>)
      "tpu.region"() ({
        %run_scoped3A = tpu.sem_alloc : memref<!tpu.dma_semaphore, #tpu.memory_space<semaphore_mem>>
        %dma_start3A_40 = arith.constant 0 : i32
        %dma_start3A_41 = tpu.memref_slice %arg7[%scan3A_29, %dma_start3A_40] : memref<80x128xi32, #tpu.memory_space<vmem>> -> memref<1x128xi32, #tpu.memory_space<vmem>>
        %dma_start3A_42 = tpu.memref_squeeze %dma_start3A_41 : memref<1x128xi32, #tpu.memory_space<vmem>> -> memref<128xi32, #tpu.memory_space<vmem>>
        %dma_start3A_43 = arith.constant 0 : i32
        %dma_start3A_44 = arith.constant 0 : i32
        %dma_start3A_45 = tpu.memref_slice %arg9[%dma_start3A_43, %dma_start3A_44] : memref<10240x128xf32, #tpu.memory_space<vmem_shared>> -> memref<10240x128xf32, #tpu.memory_space<vmem_shared>>
        tpu.enqueue_indirect_dma source(%arg8 : memref<128x128xf32, #tpu.memory_space<vmem>>) target(%dma_start3A_45 : memref<10240x128xf32, #tpu.memory_space<vmem_shared>>) offsets(%dma_start3A_42 : memref<128xi32, #tpu.memory_space<vmem>>) semaphore(%run_scoped3A : memref<!tpu.dma_semaphore, #tpu.memory_space<semaphore_mem>>) {add = true}
        %dma_wait3A_46 = arith.constant 0 : i32
        %dma_wait3A_47 = tpu.memref_slice %arg7[%scan3A_29, %dma_wait3A_46] : memref<80x128xi32, #tpu.memory_space<vmem>> -> memref<1x128xi32, #tpu.memory_space<vmem>>
        %dma_wait3A_48 = tpu.memref_squeeze %dma_wait3A_47 : memref<1x128xi32, #tpu.memory_space<vmem>> -> memref<128xi32, #tpu.memory_space<vmem>>
        %dma_wait3A_49 = arith.constant 0 : i32
        %dma_wait3A_50 = arith.constant 0 : i32
        %dma_wait3A_51 = tpu.memref_slice %arg9[%dma_wait3A_49, %dma_wait3A_50] : memref<10240x128xf32, #tpu.memory_space<vmem_shared>> -> memref<10240x128xf32, #tpu.memory_space<vmem_shared>>
        tpu.wait_indirect_dma semaphore(%run_scoped3A : memref<!tpu.dma_semaphore, #tpu.memory_space<semaphore_mem>>) src(%arg8 : memref<128x128xf32, #tpu.memory_space<vmem>>) dst(%dma_wait3A_51 : memref<10240x128xf32, #tpu.memory_space<vmem_shared>>)
        tpu.yield
      }) : () -> ()
    }
    %scan3A_21 = arith.constant 80 : i32
    %barrier3A_22 = arith.constant 0 : index
    tpu.barrier barrier_id(%barrier3A_22)
    %scan3A_23 = arith.constant 0 : i32
    %scan3A_24 = arith.constant 0 : i32
    %scan3A_25 = arith.constant 5 : i32
    %scan3A_26 = arith.addi %scan3A_24, %scan3A_25 : i32
    %scan3A_27 = arith.constant 1 : i32
    scf.for %scan3A_29 = %scan3A_24 to %scan3A_26 step %scan3A_27  : i32 {
      %mul3A_30 = arith.constant 640 : i32
      %mul3A_31 = arith.muli %arg1, %mul3A_30 : i32
      %mul3A_32 = arith.constant 128 : i32
      %mul3A_33 = arith.muli %scan3A_29, %mul3A_32 : i32
      %add3A_34 = arith.addi %mul3A_31, %mul3A_33 : i32
      %mul3A_35 = arith.constant 640 : i32
      %mul3A_36 = arith.muli %arg1, %mul3A_35 : i32
      %mul3A_37 = arith.constant 128 : i32
      %mul3A_38 = arith.muli %scan3A_29, %mul3A_37 : i32
      %add3A_39 = arith.addi %mul3A_36, %mul3A_38 : i32
      "tpu.region"() ({
        %run_scoped3A = tpu.sem_alloc : memref<!tpu.dma_semaphore, #tpu.memory_space<semaphore_mem>>
        %dma_start3A = arith.constant 0 : i32
        %dma_start3A_40 = tpu.memref_slice %arg5[%arg0, %add3A_39, %dma_start3A] : memref<2x10240x128xf32, #tpu.memory_space<hbm>> -> memref<1x128x128xf32, #tpu.memory_space<hbm>>
        %dma_start3A_41 = tpu.memref_squeeze %dma_start3A_40 : memref<1x128x128xf32, #tpu.memory_space<hbm>> -> memref<128x128xf32, #tpu.memory_space<hbm>>
        %dma_start3A_42 = arith.constant 0 : i32
        %dma_start3A_43 = tpu.memref_slice %arg9[%add3A_34, %dma_start3A_42] : memref<10240x128xf32, #tpu.memory_space<vmem_shared>> -> memref<128x128xf32, #tpu.memory_space<vmem_shared>>
        tpu.enqueue_dma source(%dma_start3A_43 : memref<128x128xf32, #tpu.memory_space<vmem_shared>>) target(%dma_start3A_41 : memref<128x128xf32, #tpu.memory_space<hbm>>) target_semaphore(%run_scoped3A : memref<!tpu.dma_semaphore, #tpu.memory_space<semaphore_mem>>)
        %dma_wait3A = arith.constant 0 : i32
        %dma_wait3A_44 = tpu.memref_slice %arg5[%arg0, %add3A_39, %dma_wait3A] : memref<2x10240x128xf32, #tpu.memory_space<hbm>> -> memref<1x128x128xf32, #tpu.memory_space<hbm>>
        %dma_wait3A_45 = tpu.memref_squeeze %dma_wait3A_44 : memref<1x128x128xf32, #tpu.memory_space<hbm>> -> memref<128x128xf32, #tpu.memory_space<hbm>>
        %dma_wait3A_46 = arith.constant 0 : i32
        %dma_wait3A_47 = tpu.memref_slice %arg9[%add3A_34, %dma_wait3A_46] : memref<10240x128xf32, #tpu.memory_space<vmem_shared>> -> memref<128x128xf32, #tpu.memory_space<vmem_shared>>
        tpu.wait_dma2 semaphore(%run_scoped3A : memref<!tpu.dma_semaphore, #tpu.memory_space<semaphore_mem>>) src(%dma_wait3A_47 : memref<128x128xf32, #tpu.memory_space<vmem_shared>>) dst(%dma_wait3A_45 : memref<128x128xf32, #tpu.memory_space<hbm>>)
        tpu.yield
      }) : () -> ()
    }
    %scan3A_28 = arith.constant 5 : i32
    return
  }
}

#map = affine_map<(d0, d1) -> (0, 0)>
#map1 = affine_map<(d0, d1) -> (0, 0, 0)>
module attributes {stable_mosaic.version = 14 : i64} {
  func.func @seg(%arg0: i32, %arg1: i32, %arg2: memref<10240x128xf32, #tpu.memory_space<hbm>>, %arg3: memref<2560x128xi32, #tpu.memory_space<hbm>>, %arg4: memref<2560x128xi32, #tpu.memory_space<hbm>>, %arg5: memref<2x10240x128xf32, #tpu.memory_space<hbm>>, %arg6: memref<80x128xi32, #tpu.memory_space<vmem>>, %arg7: memref<80x128xi32, #tpu.memory_space<vmem>>, %arg8: memref<128x128xf32, #tpu.memory_space<vmem>>, %arg9: memref<10240x128xf32, #tpu.memory_space<vmem_shared>>, %arg10: memref<!tpu.dma_semaphore, #tpu.memory_space<semaphore_mem>>) attributes {dimension_semantics = [#tpu.dimension_semantics<core_parallel>, #tpu.dimension_semantics<subcore_parallel>], iteration_bounds = array<i64: 2, 16>, scalar_prefetch = 0 : i64, scratch_operands = 5 : i64, tpu.core_type = #tpu.core_type<sc_vector_subcore>, window_params = [{transform_indices = #map}, {transform_indices = #map}, {transform_indices = #map}, {transform_indices = #map1}]} {
    %mul3A = arith.constant 2 : i32
    %mul3A_0 = arith.muli %arg1, %mul3A : i32
    %add3A = arith.addi %mul3A_0, %arg0 : i32
    %mul3A_1 = arith.constant 80 : i32
    %mul3A_2 = arith.muli %add3A, %mul3A_1 : i32
    "tpu.region"() ({
      %run_scoped3A = tpu.sem_alloc : memref<!tpu.dma_semaphore, #tpu.memory_space<semaphore_mem>>
      %dma_start3A = arith.constant 0 : i32
      %dma_start3A_29 = tpu.memref_slice %arg3[%mul3A_2, %dma_start3A] : memref<2560x128xi32, #tpu.memory_space<hbm>> -> memref<80x128xi32, #tpu.memory_space<hbm>>
      %dma_start3A_30 = arith.constant 0 : i32
      %dma_start3A_31 = tpu.memref_slice %arg3[%mul3A_2, %dma_start3A_30] : memref<2560x128xi32, #tpu.memory_space<hbm>> -> memref<80x128xi32, #tpu.memory_space<hbm>>
      tpu.enqueue_dma source(%dma_start3A_31 : memref<80x128xi32, #tpu.memory_space<hbm>>) target(%arg6 : memref<80x128xi32, #tpu.memory_space<vmem>>) target_semaphore(%run_scoped3A : memref<!tpu.dma_semaphore, #tpu.memory_space<semaphore_mem>>)
      %dma_wait3A = arith.constant 0 : i32
      %dma_wait3A_32 = tpu.memref_slice %arg3[%mul3A_2, %dma_wait3A] : memref<2560x128xi32, #tpu.memory_space<hbm>> -> memref<80x128xi32, #tpu.memory_space<hbm>>
      %dma_wait3A_33 = arith.constant 0 : i32
      %dma_wait3A_34 = tpu.memref_slice %arg3[%mul3A_2, %dma_wait3A_33] : memref<2560x128xi32, #tpu.memory_space<hbm>> -> memref<80x128xi32, #tpu.memory_space<hbm>>
      tpu.wait_dma2 semaphore(%run_scoped3A : memref<!tpu.dma_semaphore, #tpu.memory_space<semaphore_mem>>) src(%dma_wait3A_34 : memref<80x128xi32, #tpu.memory_space<hbm>>) dst(%arg6 : memref<80x128xi32, #tpu.memory_space<vmem>>)
      tpu.yield
    }) : () -> ()
    %mul3A_3 = arith.constant 80 : i32
    %mul3A_4 = arith.muli %add3A, %mul3A_3 : i32
    "tpu.region"() ({
      %run_scoped3A = tpu.sem_alloc : memref<!tpu.dma_semaphore, #tpu.memory_space<semaphore_mem>>
      %dma_start3A = arith.constant 0 : i32
      %dma_start3A_29 = tpu.memref_slice %arg4[%mul3A_4, %dma_start3A] : memref<2560x128xi32, #tpu.memory_space<hbm>> -> memref<80x128xi32, #tpu.memory_space<hbm>>
      %dma_start3A_30 = arith.constant 0 : i32
      %dma_start3A_31 = tpu.memref_slice %arg4[%mul3A_4, %dma_start3A_30] : memref<2560x128xi32, #tpu.memory_space<hbm>> -> memref<80x128xi32, #tpu.memory_space<hbm>>
      tpu.enqueue_dma source(%dma_start3A_31 : memref<80x128xi32, #tpu.memory_space<hbm>>) target(%arg7 : memref<80x128xi32, #tpu.memory_space<vmem>>) target_semaphore(%run_scoped3A : memref<!tpu.dma_semaphore, #tpu.memory_space<semaphore_mem>>)
      %dma_wait3A = arith.constant 0 : i32
      %dma_wait3A_32 = tpu.memref_slice %arg4[%mul3A_4, %dma_wait3A] : memref<2560x128xi32, #tpu.memory_space<hbm>> -> memref<80x128xi32, #tpu.memory_space<hbm>>
      %dma_wait3A_33 = arith.constant 0 : i32
      %dma_wait3A_34 = tpu.memref_slice %arg4[%mul3A_4, %dma_wait3A_33] : memref<2560x128xi32, #tpu.memory_space<hbm>> -> memref<80x128xi32, #tpu.memory_space<hbm>>
      tpu.wait_dma2 semaphore(%run_scoped3A : memref<!tpu.dma_semaphore, #tpu.memory_space<semaphore_mem>>) src(%dma_wait3A_34 : memref<80x128xi32, #tpu.memory_space<hbm>>) dst(%arg7 : memref<80x128xi32, #tpu.memory_space<vmem>>)
      tpu.yield
    }) : () -> ()
    %scan3A = arith.constant 0 : i32
    %scan3A_5 = arith.constant 0 : i32
    %scan3A_6 = arith.constant 128 : i32
    %scan3A_7 = arith.addi %scan3A_5, %scan3A_6 : i32
    %scan3A_8 = arith.constant 1 : i32
    scf.for %scan3A_29 = %scan3A_5 to %scan3A_7 step %scan3A_8  : i32 {
      %scan3A_30 = arith.constant 0 : i32
      %scan3A_31 = arith.constant 8 : i32
      %scan3A_32 = arith.addi %scan3A_30, %scan3A_31 : i32
      %scan3A_33 = arith.constant 1 : i32
      scf.for %scan3A_35 = %scan3A_30 to %scan3A_32 step %scan3A_33  : i32 {
        %broadcast_in_dim3A = arith.constant 0.000000e+00 : f32
        %broadcast_in_dim3A_36 = vector.broadcast %broadcast_in_dim3A : f32 to vector<16xf32>
        %mul3A_37 = arith.constant 16 : i32
        %mul3A_38 = arith.muli %scan3A_35, %mul3A_37 : i32
        %swap3A = arith.index_cast %scan3A_29 : i32 to index
        %swap3A_39 = arith.index_cast %mul3A_38 : i32 to index
        %swap3A_40 = tpu.vector_load %arg8[%swap3A, %swap3A_39] {strides = array<i32>} : memref<128x128xf32, #tpu.memory_space<vmem>>, vector<1x16xf32>,
        %swap3A_41 = vector.shape_cast %swap3A_40 : vector<1x16xf32> to vector<16xf32>
        %swap3A_42 = vector.shape_cast %broadcast_in_dim3A_36 : vector<16xf32> to vector<1x16xf32>
        tpu.vector_store %arg8[%swap3A, %swap3A_39], %swap3A_42 {strides = array<i32>} : memref<128x128xf32, #tpu.memory_space<vmem>>, vector<1x16xf32>,
      }
      %scan3A_34 = arith.constant 8 : i32
    }
    %scan3A_9 = arith.constant 128 : i32
    %scan3A_10 = arith.constant 0 : i32
    %scan3A_11 = arith.constant 0 : i32
    %scan3A_12 = arith.constant 5 : i32
    %scan3A_13 = arith.addi %scan3A_11, %scan3A_12 : i32
    %scan3A_14 = arith.constant 1 : i32
    scf.for %scan3A_29 = %scan3A_11 to %scan3A_13 step %scan3A_14  : i32 {
      %mul3A_30 = arith.constant 640 : i32
      %mul3A_31 = arith.muli %arg1, %mul3A_30 : i32
      %mul3A_32 = arith.constant 128 : i32
      %mul3A_33 = arith.muli %scan3A_29, %mul3A_32 : i32
      %add3A_34 = arith.addi %mul3A_31, %mul3A_33 : i32
      "tpu.region"() ({
        %run_scoped3A = tpu.sem_alloc : memref<!tpu.dma_semaphore, #tpu.memory_space<semaphore_mem>>
        %dma_start3A = arith.constant 0 : i32
        %dma_start3A_35 = tpu.memref_slice %arg9[%add3A_34, %dma_start3A] : memref<10240x128xf32, #tpu.memory_space<vmem_shared>> -> memref<128x128xf32, #tpu.memory_space<vmem_shared>>
        %dma_start3A_36 = arith.constant 0 : i32
        %dma_start3A_37 = tpu.memref_slice %arg9[%add3A_34, %dma_start3A_36] : memref<10240x128xf32, #tpu.memory_space<vmem_shared>> -> memref<128x128xf32, #tpu.memory_space<vmem_shared>>
        tpu.enqueue_dma source(%arg8 : memref<128x128xf32, #tpu.memory_space<vmem>>) target(%dma_start3A_37 : memref<128x128xf32, #tpu.memory_space<vmem_shared>>) target_semaphore(%run_scoped3A : memref<!tpu.dma_semaphore, #tpu.memory_space<semaphore_mem>>)
        %dma_wait3A = arith.constant 0 : i32
        %dma_wait3A_38 = tpu.memref_slice %arg9[%add3A_34, %dma_wait3A] : memref<10240x128xf32, #tpu.memory_space<vmem_shared>> -> memref<128x128xf32, #tpu.memory_space<vmem_shared>>
        %dma_wait3A_39 = arith.constant 0 : i32
        %dma_wait3A_40 = tpu.memref_slice %arg9[%add3A_34, %dma_wait3A_39] : memref<10240x128xf32, #tpu.memory_space<vmem_shared>> -> memref<128x128xf32, #tpu.memory_space<vmem_shared>>
        tpu.wait_dma2 semaphore(%run_scoped3A : memref<!tpu.dma_semaphore, #tpu.memory_space<semaphore_mem>>) src(%arg8 : memref<128x128xf32, #tpu.memory_space<vmem>>) dst(%dma_wait3A_40 : memref<128x128xf32, #tpu.memory_space<vmem_shared>>)
        tpu.yield
      }) : () -> ()
    }
    %scan3A_15 = arith.constant 5 : i32
    %barrier3A = arith.constant 0 : index
    tpu.barrier barrier_id(%barrier3A)
    %scan3A_16 = arith.constant 0 : i32
    %scan3A_17 = arith.constant 0 : i32
    %scan3A_18 = arith.constant 80 : i32
    %scan3A_19 = arith.addi %scan3A_17, %scan3A_18 : i32
    %scan3A_20 = arith.constant 1 : i32
    scf.for %scan3A_29 = %scan3A_17 to %scan3A_19 step %scan3A_20  : i32 {
      %dma_start3A = arith.constant 0 : i32
      %dma_start3A_30 = tpu.memref_slice %arg6[%scan3A_29, %dma_start3A] : memref<80x128xi32, #tpu.memory_space<vmem>> -> memref<1x128xi32, #tpu.memory_space<vmem>>
      %dma_start3A_31 = tpu.memref_squeeze %dma_start3A_30 : memref<1x128xi32, #tpu.memory_space<vmem>> -> memref<128xi32, #tpu.memory_space<vmem>>
      %dma_start3A_32 = arith.constant 0 : i32
      %dma_start3A_33 = arith.constant 0 : i32
      %dma_start3A_34 = tpu.memref_slice %arg2[%dma_start3A_32, %dma_start3A_33] : memref<10240x128xf32, #tpu.memory_space<hbm>> -> memref<10240x128xf32, #tpu.memory_space<hbm>>
      tpu.enqueue_indirect_dma source(%dma_start3A_34 : memref<10240x128xf32, #tpu.memory_space<hbm>>) target(%arg8 : memref<128x128xf32, #tpu.memory_space<vmem>>) offsets(%dma_start3A_31 : memref<128xi32, #tpu.memory_space<vmem>>) semaphore(%arg10 : memref<!tpu.dma_semaphore, #tpu.memory_space<semaphore_mem>>)
      %dma_wait3A = arith.constant 0 : i32
      %dma_wait3A_35 = tpu.memref_slice %arg6[%scan3A_29, %dma_wait3A] : memref<80x128xi32, #tpu.memory_space<vmem>> -> memref<1x128xi32, #tpu.memory_space<vmem>>
      %dma_wait3A_36 = tpu.memref_squeeze %dma_wait3A_35 : memref<1x128xi32, #tpu.memory_space<vmem>> -> memref<128xi32, #tpu.memory_space<vmem>>
      %dma_wait3A_37 = arith.constant 0 : i32
      %dma_wait3A_38 = arith.constant 0 : i32
      %dma_wait3A_39 = tpu.memref_slice %arg2[%dma_wait3A_37, %dma_wait3A_38] : memref<10240x128xf32, #tpu.memory_space<hbm>> -> memref<10240x128xf32, #tpu.memory_space<hbm>>
      tpu.wait_indirect_dma semaphore(%arg10 : memref<!tpu.dma_semaphore, #tpu.memory_space<semaphore_mem>>) src(%dma_wait3A_39 : memref<10240x128xf32, #tpu.memory_space<hbm>>) dst(%arg8 : memref<128x128xf32, #tpu.memory_space<vmem>>)
      "tpu.region"() ({
        %run_scoped3A = tpu.sem_alloc : memref<!tpu.dma_semaphore, #tpu.memory_space<semaphore_mem>>
        %dma_start3A_40 = arith.constant 0 : i32
        %dma_start3A_41 = tpu.memref_slice %arg7[%scan3A_29, %dma_start3A_40] : memref<80x128xi32, #tpu.memory_space<vmem>> -> memref<1x128xi32, #tpu.memory_space<vmem>>
        %dma_start3A_42 = tpu.memref_squeeze %dma_start3A_41 : memref<1x128xi32, #tpu.memory_space<vmem>> -> memref<128xi32, #tpu.memory_space<vmem>>
        %dma_start3A_43 = arith.constant 0 : i32
        %dma_start3A_44 = arith.constant 0 : i32
        %dma_start3A_45 = tpu.memref_slice %arg9[%dma_start3A_43, %dma_start3A_44] : memref<10240x128xf32, #tpu.memory_space<vmem_shared>> -> memref<10240x128xf32, #tpu.memory_space<vmem_shared>>
        tpu.enqueue_indirect_dma source(%arg8 : memref<128x128xf32, #tpu.memory_space<vmem>>) target(%dma_start3A_45 : memref<10240x128xf32, #tpu.memory_space<vmem_shared>>) offsets(%dma_start3A_42 : memref<128xi32, #tpu.memory_space<vmem>>) semaphore(%run_scoped3A : memref<!tpu.dma_semaphore, #tpu.memory_space<semaphore_mem>>) {add = true}
        %dma_wait3A_46 = arith.constant 0 : i32
        %dma_wait3A_47 = tpu.memref_slice %arg7[%scan3A_29, %dma_wait3A_46] : memref<80x128xi32, #tpu.memory_space<vmem>> -> memref<1x128xi32, #tpu.memory_space<vmem>>
        %dma_wait3A_48 = tpu.memref_squeeze %dma_wait3A_47 : memref<1x128xi32, #tpu.memory_space<vmem>> -> memref<128xi32, #tpu.memory_space<vmem>>
        %dma_wait3A_49 = arith.constant 0 : i32
        %dma_wait3A_50 = arith.constant 0 : i32
        %dma_wait3A_51 = tpu.memref_slice %arg9[%dma_wait3A_49, %dma_wait3A_50] : memref<10240x128xf32, #tpu.memory_space<vmem_shared>> -> memref<10240x128xf32, #tpu.memory_space<vmem_shared>>
        tpu.wait_indirect_dma semaphore(%run_scoped3A : memref<!tpu.dma_semaphore, #tpu.memory_space<semaphore_mem>>) src(%arg8 : memref<128x128xf32, #tpu.memory_space<vmem>>) dst(%dma_wait3A_51 : memref<10240x128xf32, #tpu.memory_space<vmem_shared>>)
        tpu.yield
      }) : () -> ()
    }
    %scan3A_21 = arith.constant 80 : i32
    %barrier3A_22 = arith.constant 0 : index
    tpu.barrier barrier_id(%barrier3A_22)
    %scan3A_23 = arith.constant 0 : i32
    %scan3A_24 = arith.constant 0 : i32
    %scan3A_25 = arith.constant 5 : i32
    %scan3A_26 = arith.addi %scan3A_24, %scan3A_25 : i32
    %scan3A_27 = arith.constant 1 : i32
    scf.for %scan3A_29 = %scan3A_24 to %scan3A_26 step %scan3A_27  : i32 {
      %mul3A_30 = arith.constant 640 : i32
      %mul3A_31 = arith.muli %arg1, %mul3A_30 : i32
      %mul3A_32 = arith.constant 128 : i32
      %mul3A_33 = arith.muli %scan3A_29, %mul3A_32 : i32
      %add3A_34 = arith.addi %mul3A_31, %mul3A_33 : i32
      %mul3A_35 = arith.constant 640 : i32
      %mul3A_36 = arith.muli %arg1, %mul3A_35 : i32
      %mul3A_37 = arith.constant 128 : i32
      %mul3A_38 = arith.muli %scan3A_29, %mul3A_37 : i32
      %add3A_39 = arith.addi %mul3A_36, %mul3A_38 : i32
      "tpu.region"() ({
        %run_scoped3A = tpu.sem_alloc : memref<!tpu.dma_semaphore, #tpu.memory_space<semaphore_mem>>
        %dma_start3A = arith.constant 0 : i32
        %dma_start3A_40 = tpu.memref_slice %arg5[%arg0, %add3A_39, %dma_start3A] : memref<2x10240x128xf32, #tpu.memory_space<hbm>> -> memref<1x128x128xf32, #tpu.memory_space<hbm>>
        %dma_start3A_41 = tpu.memref_squeeze %dma_start3A_40 : memref<1x128x128xf32, #tpu.memory_space<hbm>> -> memref<128x128xf32, #tpu.memory_space<hbm>>
        %dma_start3A_42 = arith.constant 0 : i32
        %dma_start3A_43 = tpu.memref_slice %arg9[%add3A_34, %dma_start3A_42] : memref<10240x128xf32, #tpu.memory_space<vmem_shared>> -> memref<128x128xf32, #tpu.memory_space<vmem_shared>>
        tpu.enqueue_dma source(%dma_start3A_43 : memref<128x128xf32, #tpu.memory_space<vmem_shared>>) target(%dma_start3A_41 : memref<128x128xf32, #tpu.memory_space<hbm>>) target_semaphore(%run_scoped3A : memref<!tpu.dma_semaphore, #tpu.memory_space<semaphore_mem>>)
        %dma_wait3A = arith.constant 0 : i32
        %dma_wait3A_44 = tpu.memref_slice %arg5[%arg0, %add3A_39, %dma_wait3A] : memref<2x10240x128xf32, #tpu.memory_space<hbm>> -> memref<1x128x128xf32, #tpu.memory_space<hbm>>
        %dma_wait3A_45 = tpu.memref_squeeze %dma_wait3A_44 : memref<1x128x128xf32, #tpu.memory_space<hbm>> -> memref<128x128xf32, #tpu.memory_space<hbm>>
        %dma_wait3A_46 = arith.constant 0 : i32
        %dma_wait3A_47 = tpu.memref_slice %arg9[%add3A_34, %dma_wait3A_46] : memref<10240x128xf32, #tpu.memory_space<vmem_shared>> -> memref<128x128xf32, #tpu.memory_space<vmem_shared>>
        tpu.wait_dma2 semaphore(%run_scoped3A : memref<!tpu.dma_semaphore, #tpu.memory_space<semaphore_mem>>) src(%dma_wait3A_47 : memref<128x128xf32, #tpu.memory_space<vmem_shared>>) dst(%dma_wait3A_45 : memref<128x128xf32, #tpu.memory_space<hbm>>)
        tpu.yield
      }) : () -> ()
    }
    %scan3A_28 = arith.constant 5 : i32
    return
  }
}

module attributes {stable_mosaic.version = 14 : i64} {
  func.func @_a1_body(%arg0: i32, %arg1: memref<512x128xf32, #tpu.memory_space<vmem>>, %arg2: memref<128x128xf32, #tpu.memory_space<vmem>>, %arg3: memref<2x512x16xf32, #tpu.memory_space<vmem>>, %arg4: memref<512x128xf32, #tpu.memory_space<vmem>>) attributes {dimension_semantics = [#tpu.dimension_semantics<arbitrary>], iteration_bounds = array<i64: 20>, scalar_prefetch = 0 : i64, scratch_operands = 0 : i64, tpu.core_type = #tpu.core_type<tc>, window_params = [{transform_indices = @transform_0, window_bounds = array<i64: 512, 128>}, {pipeline_mode = #tpu.pipeline_mode<synchronous>, transform_indices = @transform_1, window_bounds = array<i64: 128, 128>}, {transform_indices = @transform_2, window_bounds = array<i64: 2, 512, 16>}, {transform_indices = @transform_3, window_bounds = array<i64: 512, 128>}]} {
    %get3A = arith.constant 0 : index
    %get3A_0 = arith.constant 0 : index
    %get3A_1 = arith.constant 0 : index
    %get3A_2 = vector.load %arg3[%get3A, %get3A_0, %get3A_1] : memref<2x512x16xf32, #tpu.memory_space<vmem>>, vector<1x512x1xf32>
    %get3A_3 = vector.shape_cast %get3A_2 : vector<1x512x1xf32> to vector<512x1xf32>
    %get3A_4 = arith.constant 1 : index
    %get3A_5 = arith.constant 0 : index
    %get3A_6 = arith.constant 0 : index
    %get3A_7 = vector.load %arg3[%get3A_4, %get3A_5, %get3A_6] : memref<2x512x16xf32, #tpu.memory_space<vmem>>, vector<1x512x1xf32>
    %get3A_8 = vector.shape_cast %get3A_7 : vector<1x512x1xf32> to vector<512x1xf32>
    %add3A = arith.addf %get3A_3, %get3A_8 : vector<512x1xf32>
    %add3A_9 = arith.constant 1.000000e+00 : f32
    %add3A_10 = vector.broadcast %add3A_9 : f32 to vector<512x1xf32>
    %add3A_11 = arith.addf %add3A, %add3A_10 : vector<512x1xf32>
    %mul3A = arith.constant 512 : i32
    %mul3A_12 = arith.muli %arg0, %mul3A : i32
    %iota3A = tpu.iota {dimensions = array<i32: 0>} : vector<512x1xi32>
    %add3A_13 = vector.broadcast %mul3A_12 : i32 to vector<512x1xi32>
    %add3A_14 = arith.addi %add3A_13, %iota3A : vector<512x1xi32>
    %lt3A = arith.constant 10000 : i32
    %lt3A_15 = vector.broadcast %lt3A : i32 to vector<512x1xi32>
    %lt3A_16 = arith.cmpi slt, %add3A_14, %lt3A_15 : vector<512x1xi32>
    %rsqrt3A = math.rsqrt %add3A_11 : vector<512x1xf32>
    %jit3A = arith.constant 0.000000e+00 : f32
    %broadcast_in_dim3A = vector.broadcast %jit3A : f32 to vector<512x1xf32>
    %select_n3A = arith.select %lt3A_16, %rsqrt3A, %broadcast_in_dim3A : vector<512x1xi1>, vector<512x1xf32>
    %get3A_17 = arith.constant 0 : index
    %get3A_18 = arith.constant 0 : index
    %get3A_19 = vector.load %arg1[%get3A_17, %get3A_18] : memref<512x128xf32, #tpu.memory_space<vmem>>, vector<512x128xf32>
    %get3A_20 = arith.constant 0 : index
    %get3A_21 = arith.constant 0 : index
    %get3A_22 = vector.load %arg2[%get3A_20, %get3A_21] : memref<128x128xf32, #tpu.memory_space<vmem>>, vector<128x128xf32>
    %dot_general3A = arith.constant dense<0.000000e+00> : vector<512x128xf32>
    %dot_general3A_23 = tpu.matmul %get3A_19, %get3A_22, %dot_general3A {dimension_numbers = #tpu.dot_dimension_numbers<[1], [0], [0], [1], [0, 0, 1, 1], [], []>, transpose_lhs_hint = false} : vector<512x128xf32>, vector<128x128xf32>, vector<512x128xf32> -> vector<512x128xf32>
    %mul3A_24 = vector.broadcast %select_n3A : vector<512x1xf32> to vector<512x128xf32>
    %mul3A_25 = arith.mulf %dot_general3A_23, %mul3A_24 : vector<512x128xf32>
    %swap3A = arith.constant 0 : index
    %swap3A_26 = arith.constant 0 : index
    %swap3A_27 = vector.load %arg4[%swap3A, %swap3A_26] : memref<512x128xf32, #tpu.memory_space<vmem>>, vector<512x128xf32>
    tpu.vector_store %arg4[%swap3A, %swap3A_26], %mul3A_25 {strides = array<i32>} : memref<512x128xf32, #tpu.memory_space<vmem>>, vector<512x128xf32>,
    return
  }
  func.func @transform_0(%arg0: i32) -> (i32, i32) {
    %c0_i32 = arith.constant 0 : i32
    %c0_i32_0 = arith.constant 0 : i32
    return %arg0, %c0_i32 : i32, i32
  }
  func.func @transform_1(%arg0: i32) -> (i32, i32) {
    %c0_i32 = arith.constant 0 : i32
    %c0_i32_0 = arith.constant 0 : i32
    %c0_i32_1 = arith.constant 0 : i32
    return %c0_i32, %c0_i32_0 : i32, i32
  }
  func.func @transform_2(%arg0: i32) -> (i32, i32, i32) {
    %c0_i32 = arith.constant 0 : i32
    %c0_i32_0 = arith.constant 0 : i32
    %c0_i32_1 = arith.constant 0 : i32
    return %c0_i32, %arg0, %c0_i32_0 : i32, i32, i32
  }
  func.func @transform_3(%arg0: i32) -> (i32, i32) {
    %c0_i32 = arith.constant 0 : i32
    %c0_i32_0 = arith.constant 0 : i32
    return %arg0, %c0_i32 : i32, i32
  }
}

module attributes {stable_mosaic.version = 14 : i64} {
  func.func @_b_body(%arg0: i32, %arg1: memref<2x512x128xf32, #tpu.memory_space<vmem>>, %arg2: memref<512x128xf32, #tpu.memory_space<vmem>>, %arg3: memref<2x512x16xf32, #tpu.memory_space<vmem>>, %arg4: memref<128xf32, #tpu.memory_space<vmem>>, %arg5: memref<512x128xf32, #tpu.memory_space<vmem>>, %arg6: memref<1x128xf32, #tpu.memory_space<vmem>>) attributes {dimension_semantics = [#tpu.dimension_semantics<arbitrary>], iteration_bounds = array<i64: 20>, scalar_prefetch = 0 : i64, scratch_operands = 0 : i64, tpu.core_type = #tpu.core_type<tc>, window_params = [{transform_indices = @transform_0, window_bounds = array<i64: 2, 512, 128>}, {transform_indices = @transform_1, window_bounds = array<i64: 512, 128>}, {transform_indices = @transform_2, window_bounds = array<i64: 2, 512, 16>}, {pipeline_mode = #tpu.pipeline_mode<synchronous>, transform_indices = @transform_3, window_bounds = array<i64: 128>}, {transform_indices = @transform_4, window_bounds = array<i64: 512, 128>}, {pipeline_mode = #tpu.pipeline_mode<synchronous>, transform_indices = @transform_5, window_bounds = array<i64: 1, 128>}]} {
    %get3A = arith.constant 0 : index
    %get3A_0 = arith.constant 0 : index
    %get3A_1 = arith.constant 0 : index
    %get3A_2 = vector.load %arg3[%get3A, %get3A_0, %get3A_1] : memref<2x512x16xf32, #tpu.memory_space<vmem>>, vector<1x512x1xf32>
    %get3A_3 = vector.shape_cast %get3A_2 : vector<1x512x1xf32> to vector<512x1xf32>
    %get3A_4 = arith.constant 1 : index
    %get3A_5 = arith.constant 0 : index
    %get3A_6 = arith.constant 0 : index
    %get3A_7 = vector.load %arg3[%get3A_4, %get3A_5, %get3A_6] : memref<2x512x16xf32, #tpu.memory_space<vmem>>, vector<1x512x1xf32>
    %get3A_8 = vector.shape_cast %get3A_7 : vector<1x512x1xf32> to vector<512x1xf32>
    %add3A = arith.addf %get3A_3, %get3A_8 : vector<512x1xf32>
    %add3A_9 = arith.constant 1.000000e+00 : f32
    %add3A_10 = vector.broadcast %add3A_9 : f32 to vector<512x1xf32>
    %add3A_11 = arith.addf %add3A, %add3A_10 : vector<512x1xf32>
    %mul3A = arith.constant 512 : i32
    %mul3A_12 = arith.muli %arg0, %mul3A : i32
    %iota3A = tpu.iota {dimensions = array<i32: 0>} : vector<512x1xi32>
    %add3A_13 = vector.broadcast %mul3A_12 : i32 to vector<512x1xi32>
    %add3A_14 = arith.addi %add3A_13, %iota3A : vector<512x1xi32>
    %lt3A = arith.constant 10000 : i32
    %lt3A_15 = vector.broadcast %lt3A : i32 to vector<512x1xi32>
    %lt3A_16 = arith.cmpi slt, %add3A_14, %lt3A_15 : vector<512x1xi32>
    %rsqrt3A = math.rsqrt %add3A_11 : vector<512x1xf32>
    %jit3A = arith.constant 0.000000e+00 : f32
    %broadcast_in_dim3A = vector.broadcast %jit3A : f32 to vector<512x1xf32>
    %select_n3A = arith.select %lt3A_16, %rsqrt3A, %broadcast_in_dim3A : vector<512x1xi1>, vector<512x1xf32>
    %get3A_17 = arith.constant 0 : index
    %get3A_18 = arith.constant 0 : index
    %get3A_19 = arith.constant 0 : index
    %get3A_20 = vector.load %arg1[%get3A_17, %get3A_18, %get3A_19] : memref<2x512x128xf32, #tpu.memory_space<vmem>>, vector<1x512x128xf32>
    %get3A_21 = vector.shape_cast %get3A_20 : vector<1x512x128xf32> to vector<512x128xf32>
    %get3A_22 = arith.constant 1 : index
    %get3A_23 = arith.constant 0 : index
    %get3A_24 = arith.constant 0 : index
    %get3A_25 = vector.load %arg1[%get3A_22, %get3A_23, %get3A_24] : memref<2x512x128xf32, #tpu.memory_space<vmem>>, vector<1x512x128xf32>
    %get3A_26 = vector.shape_cast %get3A_25 : vector<1x512x128xf32> to vector<512x128xf32>
    %add3A_27 = arith.addf %get3A_21, %get3A_26 : vector<512x128xf32>
    %get3A_28 = arith.constant 0 : index
    %get3A_29 = arith.constant 0 : index
    %get3A_30 = vector.load %arg2[%get3A_28, %get3A_29] : memref<512x128xf32, #tpu.memory_space<vmem>>, vector<512x128xf32>
    %add3A_31 = arith.addf %add3A_27, %get3A_30 : vector<512x128xf32>
    %mul3A_32 = vector.broadcast %select_n3A : vector<512x1xf32> to vector<512x128xf32>
    %mul3A_33 = arith.mulf %add3A_31, %mul3A_32 : vector<512x128xf32>
    %get3A_34 = arith.constant 0 : index
    %get3A_35 = vector.load %arg4[%get3A_34] : memref<128xf32, #tpu.memory_space<vmem>>, vector<128xf32>
    %broadcast_in_dim3A_36 = vector.shape_cast %get3A_35 : vector<128xf32> to vector<1x128xf32>
    %add3A_37 = vector.broadcast %broadcast_in_dim3A_36 : vector<1x128xf32> to vector<512x128xf32>
    %add3A_38 = arith.addf %mul3A_33, %add3A_37 : vector<512x128xf32>
    %swap3A = arith.constant 0 : index
    %swap3A_39 = arith.constant 0 : index
    %swap3A_40 = vector.load %arg5[%swap3A, %swap3A_39] : memref<512x128xf32, #tpu.memory_space<vmem>>, vector<512x128xf32>
    tpu.vector_store %arg5[%swap3A, %swap3A_39], %add3A_38 {strides = array<i32>} : memref<512x128xf32, #tpu.memory_space<vmem>>, vector<512x128xf32>,
    %mul3A_41 = arith.constant 512 : i32
    %mul3A_42 = arith.muli %arg0, %mul3A_41 : i32
    %iota3A_43 = tpu.iota {dimensions = array<i32: 0>} : vector<512x1xi32>
    %add3A_44 = vector.broadcast %mul3A_42 : i32 to vector<512x1xi32>
    %add3A_45 = arith.addi %add3A_44, %iota3A_43 : vector<512x1xi32>
    %lt3A_46 = arith.constant 10000 : i32
    %lt3A_47 = vector.broadcast %lt3A_46 : i32 to vector<512x1xi32>
    %lt3A_48 = arith.cmpi slt, %add3A_45, %lt3A_47 : vector<512x1xi32>
    %jit3A_49 = arith.constant 0.000000e+00 : f32
    %broadcast_in_dim3A_50 = vector.shape_cast %lt3A_48 : vector<512x1xi1> to vector<512x1xi1>
    %broadcast_in_dim3A_51 = vector.broadcast %broadcast_in_dim3A_50 : vector<512x1xi1> to vector<512x128xi1>
    %broadcast_in_dim3A_52 = vector.broadcast %jit3A_49 : f32 to vector<512x128xf32>
    %select_n3A_53 = arith.select %broadcast_in_dim3A_51, %add3A_38, %broadcast_in_dim3A_52 : vector<512x128xi1>, vector<512x128xf32>
    %reduce_sum3A = vector.shape_cast %select_n3A_53 : vector<512x128xf32> to vector<1x512x128xf32>
    %reduce_sum3A_54 = arith.constant dense<0.000000e+00> : vector<1xf32>
    %reduce_sum3A_55 = vector.multi_reduction <add>, %reduce_sum3A, %reduce_sum3A_54 [1, 2] : vector<1x512x128xf32> to vector<1xf32>
    %reduce_sum3A_56 = vector.shape_cast %reduce_sum3A_55 : vector<1xf32> to vector<1x1x1xf32>
    %reduce_sum3A_57 = vector.extract %reduce_sum3A_56[0, 0, 0] : f32 from vector<1x1x1xf32>
    %mul3A_58 = arith.mulf %select_n3A_53, %select_n3A_53 : vector<512x128xf32>
    %reduce_sum3A_59 = vector.shape_cast %mul3A_58 : vector<512x128xf32> to vector<1x512x128xf32>
    %reduce_sum3A_60 = arith.constant dense<0.000000e+00> : vector<1xf32>
    %reduce_sum3A_61 = vector.multi_reduction <add>, %reduce_sum3A_59, %reduce_sum3A_60 [1, 2] : vector<1x512x128xf32> to vector<1xf32>
    %reduce_sum3A_62 = vector.shape_cast %reduce_sum3A_61 : vector<1xf32> to vector<1x1x1xf32>
    %reduce_sum3A_63 = vector.extract %reduce_sum3A_62[0, 0, 0] : f32 from vector<1x1x1xf32>
    %iota3A_64 = tpu.iota {dimensions = array<i32: 1>} : vector<1x128xi32>
    %eq3A = arith.constant 0 : i32
    %eq3A_65 = vector.broadcast %eq3A : i32 to vector<1x128xi32>
    %eq3A_66 = arith.cmpi eq, %iota3A_64, %eq3A_65 : vector<1x128xi32>
    %jit3A_67 = arith.constant 0.000000e+00 : f32
    %broadcast_in_dim3A_68 = vector.broadcast %reduce_sum3A_57 : f32 to vector<1x128xf32>
    %broadcast_in_dim3A_69 = vector.broadcast %jit3A_67 : f32 to vector<1x128xf32>
    %select_n3A_70 = arith.select %eq3A_66, %broadcast_in_dim3A_68, %broadcast_in_dim3A_69 : vector<1x128xi1>, vector<1x128xf32>
    %eq3A_71 = arith.constant 1 : i32
    %eq3A_72 = vector.broadcast %eq3A_71 : i32 to vector<1x128xi32>
    %eq3A_73 = arith.cmpi eq, %iota3A_64, %eq3A_72 : vector<1x128xi32>
    %jit3A_74 = arith.constant 0.000000e+00 : f32
    %broadcast_in_dim3A_75 = vector.broadcast %reduce_sum3A_63 : f32 to vector<1x128xf32>
    %broadcast_in_dim3A_76 = vector.broadcast %jit3A_74 : f32 to vector<1x128xf32>
    %select_n3A_77 = arith.select %eq3A_73, %broadcast_in_dim3A_75, %broadcast_in_dim3A_76 : vector<1x128xi1>, vector<1x128xf32>
    %add3A_78 = arith.addf %select_n3A_70, %select_n3A_77 : vector<1x128xf32>
    %eq3A_79 = arith.constant 0 : i32
    %eq3A_80 = arith.cmpi eq, %arg0, %eq3A_79 : i32
    %convert_element_type3A = arith.extui %eq3A_80 : i1 to i32
    %cond3A = arith.constant 0 : i32
    %cond3A_81 = arith.cmpi ne, %convert_element_type3A, %cond3A : i32
    scf.if %cond3A_81 {
      %swap3A_86 = arith.constant 0 : index
      %swap3A_87 = arith.constant 0 : index
      %swap3A_88 = vector.load %arg6[%swap3A_86, %swap3A_87] : memref<1x128xf32, #tpu.memory_space<vmem>>, vector<1x128xf32>
      tpu.vector_store %arg6[%swap3A_86, %swap3A_87], %add3A_78 {strides = array<i32>} : memref<1x128xf32, #tpu.memory_space<vmem>>, vector<1x128xf32>,
    } else {
    }
    %gt3A = arith.constant 0 : i32
    %gt3A_82 = arith.cmpi sgt, %arg0, %gt3A : i32
    %convert_element_type3A_83 = arith.extui %gt3A_82 : i1 to i32
    %cond3A_84 = arith.constant 0 : i32
    %cond3A_85 = arith.cmpi ne, %convert_element_type3A_83, %cond3A_84 : i32
    scf.if %cond3A_85 {
      %get3A_86 = arith.constant 0 : index
      %get3A_87 = arith.constant 0 : index
      %get3A_88 = vector.load %arg6[%get3A_86, %get3A_87] : memref<1x128xf32, #tpu.memory_space<vmem>>, vector<1x128xf32>
      %add3A_89 = arith.addf %get3A_88, %add3A_78 : vector<1x128xf32>
      %swap3A_90 = arith.constant 0 : index
      %swap3A_91 = arith.constant 0 : index
      %swap3A_92 = vector.load %arg6[%swap3A_90, %swap3A_91] : memref<1x128xf32, #tpu.memory_space<vmem>>, vector<1x128xf32>
      tpu.vector_store %arg6[%swap3A_90, %swap3A_91], %add3A_89 {strides = array<i32>} : memref<1x128xf32, #tpu.memory_space<vmem>>, vector<1x128xf32>,
    } else {
    }
    return
  }
  func.func @transform_0(%arg0: i32) -> (i32, i32, i32) {
    %c0_i32 = arith.constant 0 : i32
    %c0_i32_0 = arith.constant 0 : i32
    %c0_i32_1 = arith.constant 0 : i32
    return %c0_i32, %arg0, %c0_i32_0 : i32, i32, i32
  }
  func.func @transform_1(%arg0: i32) -> (i32, i32) {
    %c0_i32 = arith.constant 0 : i32
    %c0_i32_0 = arith.constant 0 : i32
    return %arg0, %c0_i32 : i32, i32
  }
  func.func @transform_2(%arg0: i32) -> (i32, i32, i32) {
    %c0_i32 = arith.constant 0 : i32
    %c0_i32_0 = arith.constant 0 : i32
    %c0_i32_1 = arith.constant 0 : i32
    return %c0_i32, %arg0, %c0_i32_0 : i32, i32, i32
  }
  func.func @transform_3(%arg0: i32) -> i32 {
    %c0_i32 = arith.constant 0 : i32
    %c0_i32_0 = arith.constant 0 : i32
    return %c0_i32 : i32
  }
  func.func @transform_4(%arg0: i32) -> (i32, i32) {
    %c0_i32 = arith.constant 0 : i32
    %c0_i32_0 = arith.constant 0 : i32
    return %arg0, %c0_i32 : i32, i32
  }
  func.func @transform_5(%arg0: i32) -> (i32, i32) {
    %c0_i32 = arith.constant 0 : i32
    %c0_i32_0 = arith.constant 0 : i32
    %c0_i32_1 = arith.constant 0 : i32
    return %c0_i32, %c0_i32_0 : i32, i32
  }
}

module attributes {stable_mosaic.version = 14 : i64} {
  func.func @_a2_body(%arg0: i32, %arg1: memref<512x128xf32, #tpu.memory_space<vmem>>, %arg2: memref<1x128xf32, #tpu.memory_space<vmem>>, %arg3: memref<128x128xf32, #tpu.memory_space<vmem>>, %arg4: memref<2x512x16xf32, #tpu.memory_space<vmem>>, %arg5: memref<512x128xf32, #tpu.memory_space<vmem>>, %arg6: memref<512x128xf32, #tpu.memory_space<vmem>>) attributes {dimension_semantics = [#tpu.dimension_semantics<arbitrary>], iteration_bounds = array<i64: 20>, scalar_prefetch = 0 : i64, scratch_operands = 0 : i64, tpu.core_type = #tpu.core_type<tc>, window_params = [{transform_indices = @transform_0, window_bounds = array<i64: 512, 128>}, {pipeline_mode = #tpu.pipeline_mode<synchronous>, transform_indices = @transform_1, window_bounds = array<i64: 1, 128>}, {pipeline_mode = #tpu.pipeline_mode<synchronous>, transform_indices = @transform_2, window_bounds = array<i64: 128, 128>}, {transform_indices = @transform_3, window_bounds = array<i64: 2, 512, 16>}, {transform_indices = @transform_4, window_bounds = array<i64: 512, 128>}, {transform_indices = @transform_5, window_bounds = array<i64: 512, 128>}]} {
    %get3A = arith.constant 0 : index
    %get3A_0 = arith.constant 0 : index
    %get3A_1 = vector.load %arg2[%get3A, %get3A_0] : memref<1x128xf32, #tpu.memory_space<vmem>>, vector<1x1xf32>
    %get3A_2 = vector.extract %get3A_1[0, 0] : f32 from vector<1x1xf32>
    %get3A_3 = arith.constant 0 : index
    %get3A_4 = arith.constant 1 : index
    %get3A_5 = vector.load %arg2[%get3A_3, %get3A_4] : memref<1x128xf32, #tpu.memory_space<vmem>>, vector<1x1xf32>
    %get3A_6 = vector.extract %get3A_5[0, 0] : f32 from vector<1x1xf32>
    %div3A = arith.constant 1.280000e+06 : f32
    %div3A_7 = arith.divf %get3A_2, %div3A : f32
    %mul3A = arith.mulf %get3A_2, %get3A_2 : f32
    %div3A_8 = arith.constant 1.280000e+06 : f32
    %div3A_9 = arith.divf %mul3A, %div3A_8 : f32
    %sub3A = arith.subf %get3A_6, %div3A_9 : f32
    %div3A_10 = arith.constant 0x499C3FF8 : f32
    %div3A_11 = arith.divf %sub3A, %div3A_10 : f32
    %sqrt3A = math.sqrt %div3A_11 : f32
    %add3A = arith.constant 9.99999997E-7 : f32
    %add3A_12 = arith.addf %sqrt3A, %add3A : f32
    %get3A_13 = arith.constant 0 : index
    %get3A_14 = arith.constant 0 : index
    %get3A_15 = arith.constant 0 : index
    %get3A_16 = vector.load %arg4[%get3A_13, %get3A_14, %get3A_15] : memref<2x512x16xf32, #tpu.memory_space<vmem>>, vector<1x512x1xf32>
    %get3A_17 = vector.shape_cast %get3A_16 : vector<1x512x1xf32> to vector<512x1xf32>
    %get3A_18 = arith.constant 1 : index
    %get3A_19 = arith.constant 0 : index
    %get3A_20 = arith.constant 0 : index
    %get3A_21 = vector.load %arg4[%get3A_18, %get3A_19, %get3A_20] : memref<2x512x16xf32, #tpu.memory_space<vmem>>, vector<1x512x1xf32>
    %get3A_22 = vector.shape_cast %get3A_21 : vector<1x512x1xf32> to vector<512x1xf32>
    %add3A_23 = arith.addf %get3A_17, %get3A_22 : vector<512x1xf32>
    %add3A_24 = arith.constant 1.000000e+00 : f32
    %add3A_25 = vector.broadcast %add3A_24 : f32 to vector<512x1xf32>
    %add3A_26 = arith.addf %add3A_23, %add3A_25 : vector<512x1xf32>
    %mul3A_27 = arith.constant 512 : i32
    %mul3A_28 = arith.muli %arg0, %mul3A_27 : i32
    %iota3A = tpu.iota {dimensions = array<i32: 0>} : vector<512x1xi32>
    %add3A_29 = vector.broadcast %mul3A_28 : i32 to vector<512x1xi32>
    %add3A_30 = arith.addi %add3A_29, %iota3A : vector<512x1xi32>
    %lt3A = arith.constant 10000 : i32
    %lt3A_31 = vector.broadcast %lt3A : i32 to vector<512x1xi32>
    %lt3A_32 = arith.cmpi slt, %add3A_30, %lt3A_31 : vector<512x1xi32>
    %rsqrt3A = math.rsqrt %add3A_26 : vector<512x1xf32>
    %jit3A = arith.constant 0.000000e+00 : f32
    %broadcast_in_dim3A = vector.broadcast %jit3A : f32 to vector<512x1xf32>
    %select_n3A = arith.select %lt3A_32, %rsqrt3A, %broadcast_in_dim3A : vector<512x1xi1>, vector<512x1xf32>
    %get3A_33 = arith.constant 0 : index
    %get3A_34 = arith.constant 0 : index
    %get3A_35 = vector.load %arg1[%get3A_33, %get3A_34] : memref<512x128xf32, #tpu.memory_space<vmem>>, vector<512x128xf32>
    %sub3A_36 = vector.broadcast %div3A_7 : f32 to vector<512x128xf32>
    %sub3A_37 = arith.subf %get3A_35, %sub3A_36 : vector<512x128xf32>
    %div3A_38 = vector.broadcast %add3A_12 : f32 to vector<512x128xf32>
    %div3A_39 = arith.divf %sub3A_37, %div3A_38 : vector<512x128xf32>
    %max3A = arith.constant 0.000000e+00 : f32
    %max3A_40 = vector.broadcast %max3A : f32 to vector<512x128xf32>
    %max3A_41 = arith.maximumf %div3A_39, %max3A_40 : vector<512x128xf32>
    %mul3A_42 = arith.constant 512 : i32
    %mul3A_43 = arith.muli %arg0, %mul3A_42 : i32
    %iota3A_44 = tpu.iota {dimensions = array<i32: 0>} : vector<512x1xi32>
    %add3A_45 = vector.broadcast %mul3A_43 : i32 to vector<512x1xi32>
    %add3A_46 = arith.addi %add3A_45, %iota3A_44 : vector<512x1xi32>
    %lt3A_47 = arith.constant 10000 : i32
    %lt3A_48 = vector.broadcast %lt3A_47 : i32 to vector<512x1xi32>
    %lt3A_49 = arith.cmpi slt, %add3A_46, %lt3A_48 : vector<512x1xi32>
    %jit3A_50 = arith.constant 0.000000e+00 : f32
    %broadcast_in_dim3A_51 = vector.shape_cast %lt3A_49 : vector<512x1xi1> to vector<512x1xi1>
    %broadcast_in_dim3A_52 = vector.broadcast %broadcast_in_dim3A_51 : vector<512x1xi1> to vector<512x128xi1>
    %broadcast_in_dim3A_53 = vector.broadcast %jit3A_50 : f32 to vector<512x128xf32>
    %select_n3A_54 = arith.select %broadcast_in_dim3A_52, %max3A_41, %broadcast_in_dim3A_53 : vector<512x128xi1>, vector<512x128xf32>
    %swap3A = arith.constant 0 : index
    %swap3A_55 = arith.constant 0 : index
    %swap3A_56 = vector.load %arg5[%swap3A, %swap3A_55] : memref<512x128xf32, #tpu.memory_space<vmem>>, vector<512x128xf32>
    tpu.vector_store %arg5[%swap3A, %swap3A_55], %select_n3A_54 {strides = array<i32>} : memref<512x128xf32, #tpu.memory_space<vmem>>, vector<512x128xf32>,
    %get3A_57 = arith.constant 0 : index
    %get3A_58 = arith.constant 0 : index
    %get3A_59 = vector.load %arg3[%get3A_57, %get3A_58] : memref<128x128xf32, #tpu.memory_space<vmem>>, vector<128x128xf32>
    %dot_general3A = arith.constant dense<0.000000e+00> : vector<512x128xf32>
    %dot_general3A_60 = tpu.matmul %select_n3A_54, %get3A_59, %dot_general3A {dimension_numbers = #tpu.dot_dimension_numbers<[1], [0], [0], [1], [0, 0, 1, 1], [], []>, transpose_lhs_hint = false} : vector<512x128xf32>, vector<128x128xf32>, vector<512x128xf32> -> vector<512x128xf32>
    %mul3A_61 = vector.broadcast %select_n3A : vector<512x1xf32> to vector<512x128xf32>
    %mul3A_62 = arith.mulf %dot_general3A_60, %mul3A_61 : vector<512x128xf32>
    %swap3A_63 = arith.constant 0 : index
    %swap3A_64 = arith.constant 0 : index
    %swap3A_65 = vector.load %arg6[%swap3A_63, %swap3A_64] : memref<512x128xf32, #tpu.memory_space<vmem>>, vector<512x128xf32>
    tpu.vector_store %arg6[%swap3A_63, %swap3A_64], %mul3A_62 {strides = array<i32>} : memref<512x128xf32, #tpu.memory_space<vmem>>, vector<512x128xf32>,
    return
  }
  func.func @transform_0(%arg0: i32) -> (i32, i32) {
    %c0_i32 = arith.constant 0 : i32
    %c0_i32_0 = arith.constant 0 : i32
    return %arg0, %c0_i32 : i32, i32
  }
  func.func @transform_1(%arg0: i32) -> (i32, i32) {
    %c0_i32 = arith.constant 0 : i32
    %c0_i32_0 = arith.constant 0 : i32
    %c0_i32_1 = arith.constant 0 : i32
    return %c0_i32, %c0_i32_0 : i32, i32
  }
  func.func @transform_2(%arg0: i32) -> (i32, i32) {
    %c0_i32 = arith.constant 0 : i32
    %c0_i32_0 = arith.constant 0 : i32
    %c0_i32_1 = arith.constant 0 : i32
    return %c0_i32, %c0_i32_0 : i32, i32
  }
  func.func @transform_3(%arg0: i32) -> (i32, i32, i32) {
    %c0_i32 = arith.constant 0 : i32
    %c0_i32_0 = arith.constant 0 : i32
    %c0_i32_1 = arith.constant 0 : i32
    return %c0_i32, %arg0, %c0_i32_0 : i32, i32, i32
  }
  func.func @transform_4(%arg0: i32) -> (i32, i32) {
    %c0_i32 = arith.constant 0 : i32
    %c0_i32_0 = arith.constant 0 : i32
    return %arg0, %c0_i32 : i32, i32
  }
  func.func @transform_5(%arg0: i32) -> (i32, i32) {
    %c0_i32 = arith.constant 0 : i32
    %c0_i32_0 = arith.constant 0 : i32
    return %arg0, %c0_i32 : i32, i32
  }
}

module attributes {stable_mosaic.version = 14 : i64} {
  func.func @_a3_body(%arg0: i32, %arg1: memref<512x128xf32, #tpu.memory_space<vmem>>, %arg2: memref<1x128xf32, #tpu.memory_space<vmem>>, %arg3: memref<512x128xf32, #tpu.memory_space<vmem>>, %arg4: memref<128x128xf32, #tpu.memory_space<vmem>>, %arg5: memref<2x512x16xf32, #tpu.memory_space<vmem>>, %arg6: memref<512x128xf32, #tpu.memory_space<vmem>>) attributes {dimension_semantics = [#tpu.dimension_semantics<arbitrary>], iteration_bounds = array<i64: 20>, scalar_prefetch = 0 : i64, scratch_operands = 0 : i64, tpu.core_type = #tpu.core_type<tc>, window_params = [{transform_indices = @transform_0, window_bounds = array<i64: 512, 128>}, {pipeline_mode = #tpu.pipeline_mode<synchronous>, transform_indices = @transform_1, window_bounds = array<i64: 1, 128>}, {transform_indices = @transform_2, window_bounds = array<i64: 512, 128>}, {pipeline_mode = #tpu.pipeline_mode<synchronous>, transform_indices = @transform_3, window_bounds = array<i64: 128, 128>}, {transform_indices = @transform_4, window_bounds = array<i64: 2, 512, 16>}, {transform_indices = @transform_5, window_bounds = array<i64: 512, 128>}]} {
    %get3A = arith.constant 0 : index
    %get3A_0 = arith.constant 0 : index
    %get3A_1 = vector.load %arg2[%get3A, %get3A_0] : memref<1x128xf32, #tpu.memory_space<vmem>>, vector<1x1xf32>
    %get3A_2 = vector.extract %get3A_1[0, 0] : f32 from vector<1x1xf32>
    %get3A_3 = arith.constant 0 : index
    %get3A_4 = arith.constant 1 : index
    %get3A_5 = vector.load %arg2[%get3A_3, %get3A_4] : memref<1x128xf32, #tpu.memory_space<vmem>>, vector<1x1xf32>
    %get3A_6 = vector.extract %get3A_5[0, 0] : f32 from vector<1x1xf32>
    %div3A = arith.constant 1.280000e+06 : f32
    %div3A_7 = arith.divf %get3A_2, %div3A : f32
    %mul3A = arith.mulf %get3A_2, %get3A_2 : f32
    %div3A_8 = arith.constant 1.280000e+06 : f32
    %div3A_9 = arith.divf %mul3A, %div3A_8 : f32
    %sub3A = arith.subf %get3A_6, %div3A_9 : f32
    %div3A_10 = arith.constant 0x499C3FF8 : f32
    %div3A_11 = arith.divf %sub3A, %div3A_10 : f32
    %sqrt3A = math.sqrt %div3A_11 : f32
    %add3A = arith.constant 9.99999997E-7 : f32
    %add3A_12 = arith.addf %sqrt3A, %add3A : f32
    %get3A_13 = arith.constant 0 : index
    %get3A_14 = arith.constant 0 : index
    %get3A_15 = arith.constant 0 : index
    %get3A_16 = vector.load %arg5[%get3A_13, %get3A_14, %get3A_15] : memref<2x512x16xf32, #tpu.memory_space<vmem>>, vector<1x512x1xf32>
    %get3A_17 = vector.shape_cast %get3A_16 : vector<1x512x1xf32> to vector<512x1xf32>
    %get3A_18 = arith.constant 1 : index
    %get3A_19 = arith.constant 0 : index
    %get3A_20 = arith.constant 0 : index
    %get3A_21 = vector.load %arg5[%get3A_18, %get3A_19, %get3A_20] : memref<2x512x16xf32, #tpu.memory_space<vmem>>, vector<1x512x1xf32>
    %get3A_22 = vector.shape_cast %get3A_21 : vector<1x512x1xf32> to vector<512x1xf32>
    %add3A_23 = arith.addf %get3A_17, %get3A_22 : vector<512x1xf32>
    %add3A_24 = arith.constant 1.000000e+00 : f32
    %add3A_25 = vector.broadcast %add3A_24 : f32 to vector<512x1xf32>
    %add3A_26 = arith.addf %add3A_23, %add3A_25 : vector<512x1xf32>
    %mul3A_27 = arith.constant 512 : i32
    %mul3A_28 = arith.muli %arg0, %mul3A_27 : i32
    %iota3A = tpu.iota {dimensions = array<i32: 0>} : vector<512x1xi32>
    %add3A_29 = vector.broadcast %mul3A_28 : i32 to vector<512x1xi32>
    %add3A_30 = arith.addi %add3A_29, %iota3A : vector<512x1xi32>
    %lt3A = arith.constant 10000 : i32
    %lt3A_31 = vector.broadcast %lt3A : i32 to vector<512x1xi32>
    %lt3A_32 = arith.cmpi slt, %add3A_30, %lt3A_31 : vector<512x1xi32>
    %rsqrt3A = math.rsqrt %add3A_26 : vector<512x1xf32>
    %jit3A = arith.constant 0.000000e+00 : f32
    %broadcast_in_dim3A = vector.broadcast %jit3A : f32 to vector<512x1xf32>
    %select_n3A = arith.select %lt3A_32, %rsqrt3A, %broadcast_in_dim3A : vector<512x1xi1>, vector<512x1xf32>
    %get3A_33 = arith.constant 0 : index
    %get3A_34 = arith.constant 0 : index
    %get3A_35 = vector.load %arg1[%get3A_33, %get3A_34] : memref<512x128xf32, #tpu.memory_space<vmem>>, vector<512x128xf32>
    %sub3A_36 = vector.broadcast %div3A_7 : f32 to vector<512x128xf32>
    %sub3A_37 = arith.subf %get3A_35, %sub3A_36 : vector<512x128xf32>
    %div3A_38 = vector.broadcast %add3A_12 : f32 to vector<512x128xf32>
    %div3A_39 = arith.divf %sub3A_37, %div3A_38 : vector<512x128xf32>
    %max3A = arith.constant 0.000000e+00 : f32
    %max3A_40 = vector.broadcast %max3A : f32 to vector<512x128xf32>
    %max3A_41 = arith.maximumf %div3A_39, %max3A_40 : vector<512x128xf32>
    %mul3A_42 = arith.constant 512 : i32
    %mul3A_43 = arith.muli %arg0, %mul3A_42 : i32
    %iota3A_44 = tpu.iota {dimensions = array<i32: 0>} : vector<512x1xi32>
    %add3A_45 = vector.broadcast %mul3A_43 : i32 to vector<512x1xi32>
    %add3A_46 = arith.addi %add3A_45, %iota3A_44 : vector<512x1xi32>
    %lt3A_47 = arith.constant 10000 : i32
    %lt3A_48 = vector.broadcast %lt3A_47 : i32 to vector<512x1xi32>
    %lt3A_49 = arith.cmpi slt, %add3A_46, %lt3A_48 : vector<512x1xi32>
    %jit3A_50 = arith.constant 0.000000e+00 : f32
    %broadcast_in_dim3A_51 = vector.shape_cast %lt3A_49 : vector<512x1xi1> to vector<512x1xi1>
    %broadcast_in_dim3A_52 = vector.broadcast %broadcast_in_dim3A_51 : vector<512x1xi1> to vector<512x128xi1>
    %broadcast_in_dim3A_53 = vector.broadcast %jit3A_50 : f32 to vector<512x128xf32>
    %select_n3A_54 = arith.select %broadcast_in_dim3A_52, %max3A_41, %broadcast_in_dim3A_53 : vector<512x128xi1>, vector<512x128xf32>
    %get3A_55 = arith.constant 0 : index
    %get3A_56 = arith.constant 0 : index
    %get3A_57 = vector.load %arg3[%get3A_55, %get3A_56] : memref<512x128xf32, #tpu.memory_space<vmem>>, vector<512x128xf32>
    %add3A_58 = arith.addf %select_n3A_54, %get3A_57 : vector<512x128xf32>
    %get3A_59 = arith.constant 0 : index
    %get3A_60 = arith.constant 0 : index
    %get3A_61 = vector.load %arg4[%get3A_59, %get3A_60] : memref<128x128xf32, #tpu.memory_space<vmem>>, vector<128x128xf32>
    %dot_general3A = arith.constant dense<0.000000e+00> : vector<512x128xf32>
    %dot_general3A_62 = tpu.matmul %add3A_58, %get3A_61, %dot_general3A {dimension_numbers = #tpu.dot_dimension_numbers<[1], [0], [0], [1], [0, 0, 1, 1], [], []>, transpose_lhs_hint = false} : vector<512x128xf32>, vector<128x128xf32>, vector<512x128xf32> -> vector<512x128xf32>
    %mul3A_63 = vector.broadcast %select_n3A : vector<512x1xf32> to vector<512x128xf32>
    %mul3A_64 = arith.mulf %dot_general3A_62, %mul3A_63 : vector<512x128xf32>
    %swap3A = arith.constant 0 : index
    %swap3A_65 = arith.constant 0 : index
    %swap3A_66 = vector.load %arg6[%swap3A, %swap3A_65] : memref<512x128xf32, #tpu.memory_space<vmem>>, vector<512x128xf32>
    tpu.vector_store %arg6[%swap3A, %swap3A_65], %mul3A_64 {strides = array<i32>} : memref<512x128xf32, #tpu.memory_space<vmem>>, vector<512x128xf32>,
    return
  }
  func.func @transform_0(%arg0: i32) -> (i32, i32) {
    %c0_i32 = arith.constant 0 : i32
    %c0_i32_0 = arith.constant 0 : i32
    return %arg0, %c0_i32 : i32, i32
  }
  func.func @transform_1(%arg0: i32) -> (i32, i32) {
    %c0_i32 = arith.constant 0 : i32
    %c0_i32_0 = arith.constant 0 : i32
    %c0_i32_1 = arith.constant 0 : i32
    return %c0_i32, %c0_i32_0 : i32, i32
  }
  func.func @transform_2(%arg0: i32) -> (i32, i32) {
    %c0_i32 = arith.constant 0 : i32
    %c0_i32_0 = arith.constant 0 : i32
    return %arg0, %c0_i32 : i32, i32
  }
  func.func @transform_3(%arg0: i32) -> (i32, i32) {
    %c0_i32 = arith.constant 0 : i32
    %c0_i32_0 = arith.constant 0 : i32
    %c0_i32_1 = arith.constant 0 : i32
    return %c0_i32, %c0_i32_0 : i32, i32
  }
  func.func @transform_4(%arg0: i32) -> (i32, i32, i32) {
    %c0_i32 = arith.constant 0 : i32
    %c0_i32_0 = arith.constant 0 : i32
    %c0_i32_1 = arith.constant 0 : i32
    return %c0_i32, %arg0, %c0_i32_0 : i32, i32, i32
  }
  func.func @transform_5(%arg0: i32) -> (i32, i32) {
    %c0_i32 = arith.constant 0 : i32
    %c0_i32_0 = arith.constant 0 : i32
    return %arg0, %c0_i32 : i32, i32
  }
}

module attributes {stable_mosaic.version = 14 : i64} {
  func.func @_b3_body(%arg0: i32, %arg1: memref<2x512x128xf32, #tpu.memory_space<vmem>>, %arg2: memref<512x128xf32, #tpu.memory_space<vmem>>, %arg3: memref<2x512x16xf32, #tpu.memory_space<vmem>>, %arg4: memref<64xf32, #tpu.memory_space<vmem>>, %arg5: memref<512x64xf32, #tpu.memory_space<vmem>>) attributes {dimension_semantics = [#tpu.dimension_semantics<arbitrary>], iteration_bounds = array<i64: 20>, scalar_prefetch = 0 : i64, scratch_operands = 0 : i64, tpu.core_type = #tpu.core_type<tc>, window_params = [{transform_indices = @transform_0, window_bounds = array<i64: 2, 512, 128>}, {transform_indices = @transform_1, window_bounds = array<i64: 512, 128>}, {transform_indices = @transform_2, window_bounds = array<i64: 2, 512, 16>}, {pipeline_mode = #tpu.pipeline_mode<synchronous>, transform_indices = @transform_3, window_bounds = array<i64: 64>}, {transform_indices = @transform_4, window_bounds = array<i64: 512, 64>}]} {
    %get3A = arith.constant 0 : index
    %get3A_0 = arith.constant 0 : index
    %get3A_1 = arith.constant 0 : index
    %get3A_2 = vector.load %arg3[%get3A, %get3A_0, %get3A_1] : memref<2x512x16xf32, #tpu.memory_space<vmem>>, vector<1x512x1xf32>
    %get3A_3 = vector.shape_cast %get3A_2 : vector<1x512x1xf32> to vector<512x1xf32>
    %get3A_4 = arith.constant 1 : index
    %get3A_5 = arith.constant 0 : index
    %get3A_6 = arith.constant 0 : index
    %get3A_7 = vector.load %arg3[%get3A_4, %get3A_5, %get3A_6] : memref<2x512x16xf32, #tpu.memory_space<vmem>>, vector<1x512x1xf32>
    %get3A_8 = vector.shape_cast %get3A_7 : vector<1x512x1xf32> to vector<512x1xf32>
    %add3A = arith.addf %get3A_3, %get3A_8 : vector<512x1xf32>
    %add3A_9 = arith.constant 1.000000e+00 : f32
    %add3A_10 = vector.broadcast %add3A_9 : f32 to vector<512x1xf32>
    %add3A_11 = arith.addf %add3A, %add3A_10 : vector<512x1xf32>
    %mul3A = arith.constant 512 : i32
    %mul3A_12 = arith.muli %arg0, %mul3A : i32
    %iota3A = tpu.iota {dimensions = array<i32: 0>} : vector<512x1xi32>
    %add3A_13 = vector.broadcast %mul3A_12 : i32 to vector<512x1xi32>
    %add3A_14 = arith.addi %add3A_13, %iota3A : vector<512x1xi32>
    %lt3A = arith.constant 10000 : i32
    %lt3A_15 = vector.broadcast %lt3A : i32 to vector<512x1xi32>
    %lt3A_16 = arith.cmpi slt, %add3A_14, %lt3A_15 : vector<512x1xi32>
    %rsqrt3A = math.rsqrt %add3A_11 : vector<512x1xf32>
    %jit3A = arith.constant 0.000000e+00 : f32
    %broadcast_in_dim3A = vector.broadcast %jit3A : f32 to vector<512x1xf32>
    %select_n3A = arith.select %lt3A_16, %rsqrt3A, %broadcast_in_dim3A : vector<512x1xi1>, vector<512x1xf32>
    %get3A_17 = arith.constant 0 : index
    %get3A_18 = arith.constant 0 : index
    %get3A_19 = arith.constant 0 : index
    %get3A_20 = vector.load %arg1[%get3A_17, %get3A_18, %get3A_19] : memref<2x512x128xf32, #tpu.memory_space<vmem>>, vector<1x512x128xf32>
    %get3A_21 = vector.shape_cast %get3A_20 : vector<1x512x128xf32> to vector<512x128xf32>
    %get3A_22 = arith.constant 1 : index
    %get3A_23 = arith.constant 0 : index
    %get3A_24 = arith.constant 0 : index
    %get3A_25 = vector.load %arg1[%get3A_22, %get3A_23, %get3A_24] : memref<2x512x128xf32, #tpu.memory_space<vmem>>, vector<1x512x128xf32>
    %get3A_26 = vector.shape_cast %get3A_25 : vector<1x512x128xf32> to vector<512x128xf32>
    %add3A_27 = arith.addf %get3A_21, %get3A_26 : vector<512x128xf32>
    %get3A_28 = arith.constant 0 : index
    %get3A_29 = arith.constant 0 : index
    %get3A_30 = vector.load %arg2[%get3A_28, %get3A_29] : memref<512x128xf32, #tpu.memory_space<vmem>>, vector<512x128xf32>
    %add3A_31 = arith.addf %add3A_27, %get3A_30 : vector<512x128xf32>
    %slice3A = vector.extract_strided_slice %add3A_31 {offsets = [0, 0], sizes = [512, 64], strides = [1, 1]} : vector<512x128xf32> to vector<512x64xf32>
    %mul3A_32 = vector.broadcast %select_n3A : vector<512x1xf32> to vector<512x64xf32>
    %mul3A_33 = arith.mulf %slice3A, %mul3A_32 : vector<512x64xf32>
    %get3A_34 = arith.constant 0 : index
    %get3A_35 = vector.load %arg4[%get3A_34] : memref<64xf32, #tpu.memory_space<vmem>>, vector<64xf32>
    %broadcast_in_dim3A_36 = vector.shape_cast %get3A_35 : vector<64xf32> to vector<1x64xf32>
    %add3A_37 = vector.broadcast %broadcast_in_dim3A_36 : vector<1x64xf32> to vector<512x64xf32>
    %add3A_38 = arith.addf %mul3A_33, %add3A_37 : vector<512x64xf32>
    %reduce_max3A = arith.constant dense<0xFF800000> : vector<512xf32>
    %reduce_max3A_39 = vector.multi_reduction <maximumf>, %add3A_38, %reduce_max3A [1] : vector<512x64xf32> to vector<512xf32>
    %broadcast_in_dim3A_40 = vector.shape_cast %reduce_max3A_39 : vector<512xf32> to vector<512x1xf32>
    %sub3A = vector.broadcast %broadcast_in_dim3A_40 : vector<512x1xf32> to vector<512x64xf32>
    %sub3A_41 = arith.subf %add3A_38, %sub3A : vector<512x64xf32>
    %exp3A = math.exp %sub3A_41 : vector<512x64xf32>
    %reduce_sum3A = arith.constant dense<0.000000e+00> : vector<512xf32>
    %reduce_sum3A_42 = vector.multi_reduction <add>, %exp3A, %reduce_sum3A [1] : vector<512x64xf32> to vector<512xf32>
    %broadcast_in_dim3A_43 = vector.shape_cast %reduce_sum3A_42 : vector<512xf32> to vector<512x1xf32>
    %log3A = math.log %broadcast_in_dim3A_43 : vector<512x1xf32>
    %add3A_44 = arith.addf %log3A, %broadcast_in_dim3A_40 : vector<512x1xf32>
    %sub3A_45 = vector.broadcast %add3A_44 : vector<512x1xf32> to vector<512x64xf32>
    %sub3A_46 = arith.subf %add3A_38, %sub3A_45 : vector<512x64xf32>
    %swap3A = arith.constant 0 : index
    %swap3A_47 = arith.constant 0 : index
    %swap3A_48 = vector.load %arg5[%swap3A, %swap3A_47] : memref<512x64xf32, #tpu.memory_space<vmem>>, vector<512x64xf32>
    tpu.vector_store %arg5[%swap3A, %swap3A_47], %sub3A_46 {strides = array<i32>} : memref<512x64xf32, #tpu.memory_space<vmem>>, vector<512x64xf32>,
    return
  }
  func.func @transform_0(%arg0: i32) -> (i32, i32, i32) {
    %c0_i32 = arith.constant 0 : i32
    %c0_i32_0 = arith.constant 0 : i32
    %c0_i32_1 = arith.constant 0 : i32
    return %c0_i32, %arg0, %c0_i32_0 : i32, i32, i32
  }
  func.func @transform_1(%arg0: i32) -> (i32, i32) {
    %c0_i32 = arith.constant 0 : i32
    %c0_i32_0 = arith.constant 0 : i32
    return %arg0, %c0_i32 : i32, i32
  }
  func.func @transform_2(%arg0: i32) -> (i32, i32, i32) {
    %c0_i32 = arith.constant 0 : i32
    %c0_i32_0 = arith.constant 0 : i32
    %c0_i32_1 = arith.constant 0 : i32
    return %c0_i32, %arg0, %c0_i32_0 : i32, i32, i32
  }
  func.func @transform_3(%arg0: i32) -> i32 {
    %c0_i32 = arith.constant 0 : i32
    %c0_i32_0 = arith.constant 0 : i32
    return %c0_i32 : i32
  }
  func.func @transform_4(%arg0: i32) -> (i32, i32) {
    %c0_i32 = arith.constant 0 : i32
    %c0_i32_0 = arith.constant 0 : i32
    return %arg0, %c0_i32 : i32, i32
  }
}

</mosaic_0001>

<sc_bundles>
// kernel: kernel.12.cloned.1.call-start
scs
__scs_entry_jumppad:
0x0: {  	(pc) =	sbr.rel $0x88, $3  }
0x1: {  	(tag) =	ssettag $0x0;
	lr =	simm.s32 $0x1  }
0x2: {  	[smem:$0x3F99] =	sst lr;
	_ =	strace $0xD0000000  }
0x3: {  	_ = 	snop  }
0x4: {  	_ = 	snop  }
0x5: {  	_ = 	snop  }
0x6: {  	_ = 	snop  }
0x7: {  	_ = 	snop  }
__scs_overlays_trampoline_lowered:
0x8: {  	[smem:$0x3FA8] =	sst s0  }
0x9: {  	[smem:$0x3FA9] =	sst s1  }
0xa: {  	[smem:$0x3FAA] =	sst s2  }
0xb: {  	[smem:$0x3FAB] =	sst s3  }
0xc: {  	[smem:$0x3FAC] =	sst s4  }
0xd: {  	[smem:$0x3FAD] =	sst s5  }
0xe: {  	[smem:$0x3FAE] =	sst s6  }
0xf: {  	[smem:$0x3FAF] =	sst s7  }
0x10: {  	[smem:$0x3FB0] =	sst s8  }
0x11: {  	[smem:$0x3FB1] =	sst s9;
	s0 =	simm.s32 @!p0 $0x0  }
0x12: {  	s1 =	sld [smem:$0x3F97];
	s0 =	simm.s32 @p0 $0x1  }
0x13: {  	[smem:$0x3FB2] =	sst s0;
	s0 =	simm.s32 @!p1 $0x0  }
0x14: {  	s2 =	sld [smem:$0x3F96];
	s0 =	simm.s32 @p1 $0x1  }
0x15: {  	[smem:$0x3FB3] =	sst s0;
	s0 =	simm.s32 @!p2 $0x0  }
0x16: {  	s3 =	sld [smem:$0x3FDB];
	s0 =	simm.s32 @p2 $0x1  }
0x17: {  	s4 =	simm.s32 $0x1BF5;
	[smem:$0x3FB5] =	sst s0  }
0x18: {  	s0 =	sld [smem:$0x3F98];
	_ =	swait.ge [sflag:s4], $0x0  }
0x19: {  	s7 =	sld [smem:$0x3F99]  }
0x1a: {  	s8 =	sadd.s32 $0xFFFFE003, lr  }
0x1b: {  	s9 =	sadd.s32 $0xFFFFFEF7, lr;
	s5 =	simm.s32 $0xFFFFFFFF;
	p2 =	slt.u32 s8, $0xFFFFF086  }
0x1c: {  	p1 =	slt.u32 s9, $0xF7A;
	s5 =	simm.s32 @!p2 $0x0  }
0x1d: {  	s5 =	simm.s32 @p1 $0x1;
	p0 =	seq.s32 s7, s2  }
0x1e: {  	s7 =	smul.u32 @!p0 $0xF7A, s2;
	p2 =	seq.s32 @!p0 s5, $0x0  }
0x1f: {  	s9 =	smul.u32 $0xF7A, s1;
	s8 =	simm.s32 @!p0 $0x1BF5;
	p2 =	por !p2, p0  }
0x20: {  	[sflag:s8] =	ssyncset.s32 @!p0 $0xFFFFF086;
	s6 =	sadd.s32 @!p0 s3, s7;
	s7 =	simm.s32 @!p0 $0x108  }
0x21: {  	s3 =	sadd.s32 s3, s9;
	s6 =	sadd.s32 @!p0 $0x88, s6;
	s7 =	simm.s32 @p2 $0x1082  }
0x22: {  	[simem:s7], [sflag:s8] =	dma.local @!p0 [hbm:s6], $0xF7A  }
0x23: {  	s9 =	sor.u32 $0xD0000000, s2;
	s6 =	simm.s32 $0x108;
	_ =	swait.ge @!p0 [sflag:s8], $0x0  }
0x24: {  	s3 =	sadd.s32 $0x88, s3;
	s6 =	simm.s32 @!p1 $0x1082;
	[sflag:s4] =	ssyncset.s32 $0xFFFFF086  }
0x25: {  	[simem:s6], [sflag:s4] =	dma.local [hbm:s3], $0xF7A  }
0x26: {  	[smem:$0x3F99] =	sst s1;
	(tag) =	ssettag s2;
	_ =	strace s9  }
0x27: {  	s1 =	sld [smem:$0x3FA9]  }
0x28: {  	s2 =	sld [smem:$0x3FAA]  }
0x29: {  	s4 =	sld [smem:$0x3FAC]  }
0x2a: {  	p0 =	seq.s32 s5, $0x0;
	s5 =	sld [smem:$0x3FAD]  }
0x2b: {  	s6 =	sld [smem:$0x3FAE]  }
0x2c: {  	s7 =	sld [smem:$0x3FAF]  }
0x2d: {  	s3 =	simm.s32 $0x108;
	s8 =	sld [smem:$0x3FB0]  }
0x2e: {  	s3 =	simm.s32 @!p0 $0x1082;
	s9 =	sld [smem:$0x3FB1]  }
0x2f: {  	lr =	sadd.s32 s0, s3;
	s0 =	sld [smem:$0x3FA8]  }
0x30: {  	s3 =	sld [smem:$0x3FAB]  }
0x31: {  	[smem:$0x3FB4] =	sst s10  }
0x32: {  	s10 =	sld [smem:$0x3FB2];
	_ =	sdelay $0x3  }
0x33: {  	p0 =	seq.s32 s10, $0x1;
	s10 =	sld [smem:$0x3FB4];
	_ =	sdelay $0x3  }
0x34: {  	[smem:$0x3FB4] =	sst s10  }
0x35: {  	s10 =	sld [smem:$0x3FB3];
	_ =	sdelay $0x3  }
0x36: {  	p1 =	seq.s32 s10, $0x1;
	s10 =	sld [smem:$0x3FB4];
	_ =	sdelay $0x3  }
0x37: {  	[smem:$0x3FB4] =	sst s10  }
0x38: {  	s10 =	sld [smem:$0x3FB5]  }
0x39: {  	_ = 	snop;
	(pc) =	sbr.ind lr, $3  }
0x3a: {  	_ = 	snop  }
0x3b: {  	_ = 	snop  }
0x3c: {  	p2 =	seq.s32 s10, $0x1;
	s10 =	sld [smem:$0x3FB4]  }
0x3d: {  	_ =	shalt  }
0x3e: {  	_ =	shalt  }
0x3f: {  	_ =	shalt  }
0x40: {  	_ =	shalt  }
0x41: {  	_ =	shalt  }
0x42: {  	_ =	shalt  }
0x43: {  	_ =	shalt  }
0x44: {  	_ =	shalt  }
0x45: {  	_ =	shalt  }
0x46: {  	_ =	shalt  }
0x47: {  	_ =	shalt  }
0x48: {  	_ =	shalt  }
0x49: {  	_ =	shalt  }
0x4a: {  	_ =	shalt  }
0x4b: {  	_ =	shalt  }
0x4c: {  	_ =	shalt  }
0x4d: {  	_ =	shalt  }
0x4e: {  	_ =	shalt  }
0x4f: {  	_ =	shalt  }
0x50: {  	_ =	shalt  }
0x51: {  	_ =	shalt  }
0x52: {  	_ =	shalt  }
0x53: {  	_ =	shalt  }
0x54: {  	_ =	shalt  }
0x55: {  	_ =	shalt  }
0x56: {  	_ =	shalt  }
0x57: {  	_ =	shalt  }
0x58: {  	_ =	shalt  }
0x59: {  	_ =	shalt  }
0x5a: {  	_ =	shalt  }
0x5b: {  	_ =	shalt  }
0x5c: {  	_ =	shalt  }
0x5d: {  	_ =	shalt  }
0x5e: {  	_ =	shalt  }
0x5f: {  	_ =	shalt  }
0x60: {  	_ =	shalt  }
0x61: {  	_ =	shalt  }
0x62: {  	_ =	shalt  }
0x63: {  	_ =	shalt  }
0x64: {  	_ =	shalt  }
0x65: {  	_ =	shalt  }
0x66: {  	_ =	shalt  }
0x67: {  	_ =	shalt  }
0x68: {  	_ =	shalt  }
0x69: {  	_ =	shalt  }
0x6a: {  	_ =	shalt  }
0x6b: {  	_ =	shalt  }
0x6c: {  	_ =	shalt  }
0x6d: {  	_ =	shalt  }
0x6e: {  	_ =	shalt  }
0x6f: {  	_ =	shalt  }
0x70: {  	_ =	shalt  }
0x71: {  	_ =	shalt  }
0x72: {  	_ =	shalt  }
0x73: {  	_ =	shalt  }
0x74: {  	_ =	shalt  }
0x75: {  	_ =	shalt  }
0x76: {  	_ =	shalt  }
0x77: {  	_ =	shalt  }
0x78: {  	_ =	shalt  }
0x79: {  	_ =	shalt  }
0x7a: {  	_ =	shalt  }
0x7b: {  	_ =	shalt  }
0x7c: {  	_ =	shalt  }
0x7d: {  	_ =	shalt  }
0x7e: {  	_ =	shalt  }
0x7f: {  	_ =	shalt  }
0x80: {  	_ =	shalt  }
0x81: {  	_ =	shalt  }
0x82: {  	_ =	shalt  }
0x83: {  	_ =	shalt  }
0x84: {  	_ =	shalt  }
0x85: {  	_ =	shalt  }
0x86: {  	_ =	shalt  }
0x87: {  	_ =	shalt  }
.Lfunc_end0:
.L_simem_size_0:
called_computation_lowered:
.L_overlay_start_0:
0x88: {  	s2 =	sld [smem:$0x3FD9]  }
0x89: {  	s3 =	sld [smem:$0x3FFE];
	_ =	sdelay $0x1  }
0x8a: {  	s1 =	srdreg.scid  }
0x8b: {  	s0 =	sand.u32 $0x1, s1  }
0x8c: {  	s16 =	sshll.u32 s0, $0xA;
	s2 =	sadd.s32 s3, s2  }
0x8d: {  	s2 =	sadd.s32 s2, s16  }
0x8e: {  	[smem:$0x3FC0] =	sst s2  }
0x8f: {  	_ = 	snop  }
0x90: {  	(tm) =	ssettm $0x1  }
0x91: {  	s17 =	sld [smem:$0x3FFB];
	_ =	sdelay $0x3  }
0x92: {  	_ =	strace s17  }
0x93: {  	s2 =	sld [smem:$0x3FFC];
	_ =	sdelay $0x3  }
0x94: {  	_ =	strace s2  }
0x95: {  	s2 =	sld [smem:$0x3FFD];
	_ =	sdelay $0x3  }
0x96: {  	_ =	strace s2  }
0x97: {  	_ =	strace $0x8FFFFFFF  }
0x98: {  	s18 =	sld [smem:$0x3FDB];
	_ =	sdelay $0x1  }
0x99: {  	s19 =	simm.s32 $_scs_section_size  }
0x9a: {  	s4 =	simm.s32 $_size__tile_overlayer_lowered;
	s5 =	simm.s32 $_tile_overlayer_lowered  }
0x9b: {  	s22 =	simm.s32 $0x1BFF;
	s21 =	sshll.u32 s5, $0x1;
	s2 =	sadd.s32 s19, s18  }
0x9c: {  	s6 =	simm.s32 $0x0;
	s20 =	sshll.u32 s4, $0x1;
	s4 =	sadd.s32 s21, s2  }
0x9d: {  	[timem:s6], [sflag:s22] =	dma.local [hbm:s4], s20  }
0x9e: {  	_ =	swait.ge [sflag:s22], s20  }
0x9f: {  	s3 =	ssub.s32 $0x0, s20;
	[sflag:s22] =	ssyncset.done $0x0  }
0xa0: {  	[sflag:s22] =	ssyncadd.s32 s3;
	_ =	sdelay $0x1  }
0xa1: {  	s23 =	simm.s32 $0x1B8B  }
0xa2: {  	_ =	swait.ge [sflag:s23], $0x1  }
0xa3: {  	[sflag:s23] =	ssyncset.done $0x0  }
0xa4: {  	s25 =	simm.s32 $0x1B8E;
	s24 =	sld [smem:$0x3FFE];
	[sflag:s23] =	ssyncadd.s32 $0xFFFFFFFF  }
0xa5: {  	s26 =	simm.s32 $execute0_lowered;
	[smem:$0x3FD2] =	sst s25  }
0xa6: {  	s4 =	sshll.u32 s26, $0x1;
	_ =	strace $0x80000046;
	[dreg:$0x1] =	wrdreg $0xFFFFFFFF  }
0xa7: {  	s28 =	simm.s32 $_size_execute0_lowered;
	s2 =	sadd.s32 s2, s4;
	[dreg:$0x0] =	wrdreg $0x0  }
0xa8: {  	s4 =	sshll.u32 s28, $0x1;
	[dreg:$0x2] =	wrdreg s2  }
0xa9: {  	[dreg:$0x3] =	wrdreg s4  }
0xaa: {  	[dreg:$0x4] =	wrdreg $0xC0  }
0xab: {  	_ =	task [dreg:s6], $0x5FFFF  }
0xac: {  	[dreg:$0x1] =	wrdreg $0xFFFFFFFF  }
0xad: {  	[dreg:$0x0] =	wrdreg $0x60  }
0xae: {  	[dreg:$0x2] =	wrdreg s24  }
0xaf: {  	[dreg:$0x3] =	wrdreg $0x68000  }
0xb0: {  	[dreg:$0x4] =	wrdreg $0x9  }
0xb1: {  	_ =	task.clear_ibuf [dreg:s6], $0x5FFFF;
	_ =	strace $0x90000046  }
0xb2: {  	s29 =	simm.s32 $0x9;
	_ =	strace $0x80000048  }
0xb3: {  	_ =	swait.ge [sflag:s29], $0x1  }
0xb4: {  	[sflag:s29] =	ssyncadd.s32 $0xFFFFFFFF  }
0xb5: {  	_ =	strace $0x90000048  }
0xb6: {  	_ =	sfence  }
0xb7: {  	s30 =	sld [smem:$0x0];
	_ =	sdelay $0x2  }
0xb8: {  	s31 =	sshll.u32 s1, $0xD;
	s1 =	sshrl.u32 s1, $0x2  }
0xb9: {  	s3 =	sand.u32 $0x4000, s31;
	s1 =	sadd.s32 s1, s30  }
0xba: {  	s0 =	sor.u32 s3, s0;
	s1 =	sshll.u32 s1, $0x11  }
0xbb: {  	s0 =	sor.u32 s1, s0  }
0xbc: {  	s0 =	sadd.s32 $0x8F2B, s0  }
0xbd: {  	[sflag:s0] =	ssyncadd.remote.s32 $0x1  }
0xbe: {  	_ =	sfence.sel $0xFFFF  }
0xbf: {  	[dreg:$0x0] =	wrdreg $0xFFFFFFFF;
	(pc) =	sbr.abs _section_cstart, $3  }
0xc0: {  	[dreg:$0x1] =	wrdreg $0xFFFFFFFF  }
0xc1: {  	_ =	task.clear_ibuf [dreg:s6], $0x2FFFF;
	_ =	strace $0x9FFFFFFF  }
0xc2: {  	(tm) =	ssettm $0x7FFFFFFF  }
0xc3: {  	_ =	shalt  }
tec
execute0_lowered:
.L_overlay_start_1:
0x0: {  	(tag) =	ssettag $0x1  }
0x1: {  	s1 =	srdreg.scid;
	s4 =	rddreg [dreg:$0x0]  }
0x2: {  	s0 =	stileid.u32;
	s2 =	rddreg [dreg:$0x1];
	s3 =	simm.s32 $0x0  }
0x3: {  	s5 =	sand.u32 $0x1, s1;
	s1 =	rddreg [dreg:$0x2];
	s13 =	smul.u32 $0x14000, s0  }
0x4: {  	s24 =	sshll.u32 s0, $0x1;
	[smem:$0x7FF] =	sst s3;
	s7 =	smul.u32 $0x50000, s0  }
0x5: {  	s15 =	sadd.s32 $0xDE00, s4;
	s6 =	sor.u32 s5, s24;
	s14 =	smul.u32 $0x140000, s5  }
0x6: {  	_ =	strace $0x80000047;
	s5 =	ssub.s32 $0x2, s5;
	s6 =	smul.u32 $0x500, s6  }
0x7: {  	s25 =	sshrl.u32 s5, $0x1;
	s26 =	sshrl.u32 s7, $0x2;
	s16 =	sadd.s32 $0x4000, s13  }
0x8: {  	s17 =	sadd.s32 $0x8000, s13;
	s18 =	sadd.s32 $0xC000, s13;
	s20 =	sadd.s32 $0x10000, s13  }
0x9: {  	s8 =	sadd.s32 s14, s13;
	s9 =	ssub.s32 s5, s25;
	s5 =	sadd.s32 s26, s2  }
0xa: {  	s12 =	sadd.s32 s14, s16;
	s19 =	sadd.s32 s16, s2;
	s29 =	sadd.s32 s14, s17  }
0xb: {  	s30 =	sadd.s32 s14, s18;
	s14 =	sadd.s32 s14, s20;
	s21 =	sadd.s32 s17, s2  }
0xc: {  	s22 =	sadd.s32 s18, s2;
	s23 =	sadd.s32 s20, s2;
	s17 =	simm.s32 $0x2800  }
0xd: {  	s18 =	simm.s32 $0x80;
	s6 =	sadd.s32 s6, s4;
	s28 =	sshrl.u32 s8, $0x3  }
0xe: {  	s7 =	smax.u32 s9, $0x1;
	s8 =	sadd.s32 $0x4000, s5;
	s9 =	sadd.s32 $0x8000, s5  }
0xf: {  	s10 =	sadd.s32 $0xC000, s5;
	s11 =	sadd.s32 $0x10000, s5;
	s12 =	sshrl.u32 s12, $0x3  }
0x10: {  	s16 =	sshrl.u32 s29, $0x3;
	s31 =	sshrl.u32 s14, $0x3;
	s19 =	sshrl.u32 s19, $0x3  }
0x11: {  	s20 =	sshrl.u32 s21, $0x3;
	s21 =	sshrl.u32 s22, $0x3;
	s22 =	sshrl.u32 s23, $0x3  }
0x12: {  	s23 =	simm.s32 $0x0;
	s4 =	sadd.s32 $0x3E00, s6;
	s6 =	sadd.s32 s15, s28  }
0x13: {  	s12 =	sadd.s32 s15, s12;
	s13 =	sadd.s32 s15, s16;
	s16 =	sshrl.u32 s30, $0x3  }
0x14: {  	v0 =	vimm.f32 $0.0e+00;
	v1 =	vimm.f32 $1.000000000e+00;
	s14 =	sadd.s32 s15, s16;
	s15 =	sadd.s32 s15, s31;
	s16 =	simm.s32 $0x1  }
.LBB2_1:
0x15: {  	[tilespmem:s3], [sflag:$0x1] =	stream.linear.gather [hbm4b:s4+s3], $0x2800, $0x38;
	[tilespmem:$0x9000] =	vst v63  }
0x16: {  	_ =	swait.ge [sflag:s16], $0x2800  }
0x17: {  	[sflag:s16] =	ssyncset.done $0x0  }
0x18: {  	s24 =	simm.s32 $0x200;
	s25 =	simm.s32 $0x0;
	[sflag:s16] =	ssyncadd.s32 $0xFFFFD800  }
.LBB2_2:
0x19: {  	p0 =	sne.s32 s24, $0xFE00;
	[tilespmem:s25+$0x2800] =	vst v0;
	s25 =	smov.u32 s24;
	s24 =	sadd.s32 $0x200, s24  }
.Ltmp0:
0x1a: {  	(pc) =	sbr.rel @p0 .LBB2_2-.Ltmp0, $2  }
0x1b: {  	_ =	sdelay $0x2  }
0x1c: {  	s25 =	sshra.s32 s25, $0x2  }
0x1d: {  	[tilespmem:s25+$0x2800] =	vst v0  }
0x1e: {  	[spmem:s5] =	stream.linear.scatter [tilespmem:s17], [sflag:$0x1], $0x4000, $0x38;
	[tilespmem:$0x9000] =	vst v63  }
0x1f: {  	_ =	swait.ge [sflag:s16], $0x4000  }
0x20: {  	[sflag:s16] =	ssyncset.done $0x0  }
0x21: {  	[sflag:s16] =	ssyncadd.s32 $0xFFFFC000  }
0x22: {  	[spmem:s8] =	stream.linear.scatter [tilespmem:s17], [sflag:$0x1], $0x4000, $0x38;
	[tilespmem:$0x9000] =	vst v63  }
0x23: {  	_ =	swait.ge [sflag:s16], $0x4000  }
0x24: {  	[sflag:s16] =	ssyncset.done $0x0  }
0x25: {  	[sflag:s16] =	ssyncadd.s32 $0xFFFFC000  }
0x26: {  	[spmem:s9] =	stream.linear.scatter [tilespmem:s17], [sflag:$0x1], $0x4000, $0x38;
	[tilespmem:$0x9000] =	vst v63  }
0x27: {  	_ =	swait.ge [sflag:s16], $0x4000  }
0x28: {  	[sflag:s16] =	ssyncset.done $0x0  }
0x29: {  	[sflag:s16] =	ssyncadd.s32 $0xFFFFC000  }
0x2a: {  	[spmem:s10] =	stream.linear.scatter [tilespmem:s17], [sflag:$0x1], $0x4000, $0x38;
	[tilespmem:$0x9000] =	vst v63  }
0x2b: {  	_ =	swait.ge [sflag:s16], $0x4000  }
0x2c: {  	[sflag:s16] =	ssyncset.done $0x0  }
0x2d: {  	[sflag:s16] =	ssyncadd.s32 $0xFFFFC000  }
0x2e: {  	[spmem:s11] =	stream.linear.scatter [tilespmem:s17], [sflag:$0x1], $0x4000, $0x38;
	[tilespmem:$0x9000] =	vst v63  }
0x2f: {  	_ =	swait.ge [sflag:s16], $0x4000  }
0x30: {  	[sflag:s16] =	ssyncset.done $0x0  }
0x31: {  	s24 =	simm.s32 $0x200;
	s25 =	simm.s32 $0x0;
	[sflag:s16] =	ssyncadd.s32 $0xFFFFC000  }
.LBB2_4:
0x32: {  	p0 =	sne.s32 s24, $0xFE00;
	[tilespmem:s25+$0x2800] =	vst v1;
	s25 =	smov.u32 s24;
	s24 =	sadd.s32 $0x200, s24  }
.Ltmp1:
0x33: {  	(pc) =	sbr.rel @p0 .LBB2_4-.Ltmp1, $2  }
0x34: {  	_ =	sdelay $0x2  }
0x35: {  	s25 =	sshra.s32 s25, $0x2  }
0x36: {  	[tilespmem:s25+$0x2800] =	vst v1  }
0x37: {  	s24 =	simm.s32 $0x0;
	[bflag:$0x0] =	sbarrier.arrive $0xFFFF  }
0x38: {  	[spmem:s2] =	stream.indirect.scatter.add.f32 [tilespmem:s17], [sflag:$0x1], $0x10, s24, s18, $0xb8;
	[tilespmem:$0x9000] =	vst v63  }
0x39: {  	_ =	swait.ge [sflag:s16], $0x800  }
0x3a: {  	s24 =	simm.s32 $0x200;
	[sflag:s16] =	ssyncset.done $0x0  }
.LBB2_6:
0x3b: {  	s25 =	sshra.s32 s24, $0x2;
	[sflag:s16] =	ssyncadd.s32 $0xFFFFF800;
	p0 =	sne.s32 s24, $0x9E00  }
0x3c: {  	[spmem:s2] =	stream.indirect.scatter.add.f32 [tilespmem:s17], [sflag:$0x1], $0x10, s25, s18, $0xb8;
	[tilespmem:$0x9000] =	vst v63  }
.Ltmp2:
0x3d: {  	_ = 	snop;
	(pc) =	sbr.rel @p0 .LBB2_6-.Ltmp2, $4  }
0x3e: {  	_ = 	snop  }
0x3f: {  	s24 =	sadd.s32 $0x200, s24  }
0x40: {  	_ =	swait.ge [sflag:s16], $0x800  }
0x41: {  	[sflag:s16] =	ssyncset.done $0x0  }
0x42: {  	[sflag:s16] =	ssyncadd.s32 $0xFFFFF800;
	s24 =	sshll.u32 s0, $0x6  }
0x43: {  	s25 =	sshrl.u32 s5, $0x3;
	[bflag:$0x0] =	sbarrier.arrive $0xFFFF;
	s24 =	sor.u32 $0x1C01, s24  }
0x44: {  	[hbm:s6], [sflag:s24] =	dma.local [spmem:s25], $0x800  }
0x45: {  	_ =	swait.ge [sflag:s16], $0x800  }
0x46: {  	[sflag:s16] =	ssyncset.done $0x0  }
0x47: {  	[sflag:s16] =	ssyncadd.s32 $0xFFFFF800  }
0x48: {  	[hbm:s12], [sflag:s24] =	dma.local [spmem:s19], $0x800  }
0x49: {  	_ =	swait.ge [sflag:s16], $0x800  }
0x4a: {  	[sflag:s16] =	ssyncset.done $0x0  }
0x4b: {  	[sflag:s16] =	ssyncadd.s32 $0xFFFFF800  }
0x4c: {  	[hbm:s13], [sflag:s24] =	dma.local [spmem:s20], $0x800  }
0x4d: {  	_ =	swait.ge [sflag:s16], $0x800  }
0x4e: {  	[sflag:s16] =	ssyncset.done $0x0  }
0x4f: {  	[sflag:s16] =	ssyncadd.s32 $0xFFFFF800  }
0x50: {  	[hbm:s14], [sflag:s24] =	dma.local [spmem:s21], $0x800  }
0x51: {  	s23 =	sadd.s32 $0x1, s23;
	_ =	swait.ge [sflag:s16], $0x800  }
0x52: {  	p0 =	sne.s32 s23, s7;
	[sflag:s16] =	ssyncset.done $0x0  }
.Ltmp3:
0x53: {  	[sflag:s16] =	ssyncadd.s32 $0xFFFFF800;
	(pc) =	sbr.rel @p0 .LBB2_1-.Ltmp3, $4  }
0x54: {  	[hbm:s15], [sflag:s24] =	dma.local [spmem:s22], $0x800  }
0x55: {  	_ =	swait.ge [sflag:s16], $0x800  }
0x56: {  	[sflag:s16] =	ssyncset.done $0x0  }
0x57: {  	[sflag:s16] =	ssyncadd.s32 $0xFFFFF800  }
0x58: {  	_ =	sfence.sel $0x180000  }
0x59: {  	[bflag:$0x0] =	sbarrier.arrive $0xFFFF  }
0x5a: {  	p0 =	sne.s32 s0, $0x0;
	_ =	strace $0x90000047  }
0x5b: {  	s0 =	sadd.s32 @!p0 $0x100000, s1;
	[bflag:$0x2] =	sbarrier.arrive $0xFFFF  }
0x5c: {  	[sflag:s0] =	ssyncadd.tile.s32 @!p0 $0x1;
	_ =	shalt  }
.Lfunc_end2:
_tile_overlayer_lowered:
.L_overlay_start_2:
0x5d: {  	(tag) =	ssettag $0x2  }
0x5e: {  	s0 =	rddreg [dreg:$0x0];
	s2 =	stileid.u32  }
0x5f: {  	s1 =	rddreg [dreg:$0x1];
	p0 =	sne.s32 s2, $0x0  }
0x60: {  	s3 =	rddreg [dreg:$0x2];
	[bflag:$0x3] =	sbarrier.arrive $0xFFFF;
	s2 =	simm.s32 @!p0 $0x1C01  }
0x61: {  	[timem:s3], [sflag:s2] =	dma.local @!p0 [hbm:s0], s1  }
0x62: {  	s0 =	simm.s32 @!p0 $0x1  }
0x63: {  	_ =	swait.ge @!p0 [sflag:s0], s1  }
0x64: {  	s1 =	ssub.s32 @!p0 $0x0, s1;
	[sflag:s0] =	ssyncset.done @!p0 $0x0  }
0x65: {  	[sflag:s0] =	ssyncadd.s32 @!p0 s1  }
0x66: {  	[bflag:$0x3] =	sbarrier.arrive $0xFFFF  }
0x67: {  	_ =	shalt  }

// kernel: kernel.15.cloned.1.call-start
scs
__scs_entry_jumppad:
0x0: {  	(pc) =	sbr.rel $0x88, $3  }
0x1: {  	(tag) =	ssettag $0x0;
	lr =	simm.s32 $0x1  }
0x2: {  	[smem:$0x3F99] =	sst lr;
	_ =	strace $0xD0000000  }
0x3: {  	_ = 	snop  }
0x4: {  	_ = 	snop  }
0x5: {  	_ = 	snop  }
0x6: {  	_ = 	snop  }
0x7: {  	_ = 	snop  }
__scs_overlays_trampoline_lowered:
0x8: {  	[smem:$0x3FA8] =	sst s0  }
0x9: {  	[smem:$0x3FA9] =	sst s1  }
0xa: {  	[smem:$0x3FAA] =	sst s2  }
0xb: {  	[smem:$0x3FAB] =	sst s3  }
0xc: {  	[smem:$0x3FAC] =	sst s4  }
0xd: {  	[smem:$0x3FAD] =	sst s5  }
0xe: {  	[smem:$0x3FAE] =	sst s6  }
0xf: {  	[smem:$0x3FAF] =	sst s7  }
0x10: {  	[smem:$0x3FB0] =	sst s8  }
0x11: {  	[smem:$0x3FB1] =	sst s9;
	s0 =	simm.s32 @!p0 $0x0  }
0x12: {  	s1 =	sld [smem:$0x3F97];
	s0 =	simm.s32 @p0 $0x1  }
0x13: {  	[smem:$0x3FB2] =	sst s0;
	s0 =	simm.s32 @!p1 $0x0  }
0x14: {  	s2 =	sld [smem:$0x3F96];
	s0 =	simm.s32 @p1 $0x1  }
0x15: {  	[smem:$0x3FB3] =	sst s0;
	s0 =	simm.s32 @!p2 $0x0  }
0x16: {  	s3 =	sld [smem:$0x3FDB];
	s0 =	simm.s32 @p2 $0x1  }
0x17: {  	s4 =	simm.s32 $0x1BF5;
	[smem:$0x3FB5] =	sst s0  }
0x18: {  	s0 =	sld [smem:$0x3F98];
	_ =	swait.ge [sflag:s4], $0x0  }
0x19: {  	s7 =	sld [smem:$0x3F99]  }
0x1a: {  	s8 =	sadd.s32 $0xFFFFE003, lr  }
0x1b: {  	s9 =	sadd.s32 $0xFFFFFEF7, lr;
	s5 =	simm.s32 $0xFFFFFFFF;
	p2 =	slt.u32 s8, $0xFFFFF086  }
0x1c: {  	p1 =	slt.u32 s9, $0xF7A;
	s5 =	simm.s32 @!p2 $0x0  }
0x1d: {  	s5 =	simm.s32 @p1 $0x1;
	p0 =	seq.s32 s7, s2  }
0x1e: {  	s7 =	smul.u32 @!p0 $0xF7A, s2;
	p2 =	seq.s32 @!p0 s5, $0x0  }
0x1f: {  	s9 =	smul.u32 $0xF7A, s1;
	s8 =	simm.s32 @!p0 $0x1BF5;
	p2 =	por !p2, p0  }
0x20: {  	[sflag:s8] =	ssyncset.s32 @!p0 $0xFFFFF086;
	s6 =	sadd.s32 @!p0 s3, s7;
	s7 =	simm.s32 @!p0 $0x108  }
0x21: {  	s3 =	sadd.s32 s3, s9;
	s6 =	sadd.s32 @!p0 $0x88, s6;
	s7 =	simm.s32 @p2 $0x1082  }
0x22: {  	[simem:s7], [sflag:s8] =	dma.local @!p0 [hbm:s6], $0xF7A  }
0x23: {  	s9 =	sor.u32 $0xD0000000, s2;
	s6 =	simm.s32 $0x108;
	_ =	swait.ge @!p0 [sflag:s8], $0x0  }
0x24: {  	s3 =	sadd.s32 $0x88, s3;
	s6 =	simm.s32 @!p1 $0x1082;
	[sflag:s4] =	ssyncset.s32 $0xFFFFF086  }
0x25: {  	[simem:s6], [sflag:s4] =	dma.local [hbm:s3], $0xF7A  }
0x26: {  	[smem:$0x3F99] =	sst s1;
	(tag) =	ssettag s2;
	_ =	strace s9  }
0x27: {  	s1 =	sld [smem:$0x3FA9]  }
0x28: {  	s2 =	sld [smem:$0x3FAA]  }
0x29: {  	s4 =	sld [smem:$0x3FAC]  }
0x2a: {  	p0 =	seq.s32 s5, $0x0;
	s5 =	sld [smem:$0x3FAD]  }
0x2b: {  	s6 =	sld [smem:$0x3FAE]  }
0x2c: {  	s7 =	sld [smem:$0x3FAF]  }
0x2d: {  	s3 =	simm.s32 $0x108;
	s8 =	sld [smem:$0x3FB0]  }
0x2e: {  	s3 =	simm.s32 @!p0 $0x1082;
	s9 =	sld [smem:$0x3FB1]  }
0x2f: {  	lr =	sadd.s32 s0, s3;
	s0 =	sld [smem:$0x3FA8]  }
0x30: {  	s3 =	sld [smem:$0x3FAB]  }
0x31: {  	[smem:$0x3FB4] =	sst s10  }
0x32: {  	s10 =	sld [smem:$0x3FB2];
	_ =	sdelay $0x3  }
0x33: {  	p0 =	seq.s32 s10, $0x1;
	s10 =	sld [smem:$0x3FB4];
	_ =	sdelay $0x3  }
0x34: {  	[smem:$0x3FB4] =	sst s10  }
0x35: {  	s10 =	sld [smem:$0x3FB3];
	_ =	sdelay $0x3  }
0x36: {  	p1 =	seq.s32 s10, $0x1;
	s10 =	sld [smem:$0x3FB4];
	_ =	sdelay $0x3  }
0x37: {  	[smem:$0x3FB4] =	sst s10  }
0x38: {  	s10 =	sld [smem:$0x3FB5]  }
0x39: {  	_ = 	snop;
	(pc) =	sbr.ind lr, $3  }
0x3a: {  	_ = 	snop  }
0x3b: {  	_ = 	snop  }
0x3c: {  	p2 =	seq.s32 s10, $0x1;
	s10 =	sld [smem:$0x3FB4]  }
0x3d: {  	_ =	shalt  }
0x3e: {  	_ =	shalt  }
0x3f: {  	_ =	shalt  }
0x40: {  	_ =	shalt  }
0x41: {  	_ =	shalt  }
0x42: {  	_ =	shalt  }
0x43: {  	_ =	shalt  }
0x44: {  	_ =	shalt  }
0x45: {  	_ =	shalt  }
0x46: {  	_ =	shalt  }
0x47: {  	_ =	shalt  }
0x48: {  	_ =	shalt  }
0x49: {  	_ =	shalt  }
0x4a: {  	_ =	shalt  }
0x4b: {  	_ =	shalt  }
0x4c: {  	_ =	shalt  }
0x4d: {  	_ =	shalt  }
0x4e: {  	_ =	shalt  }
0x4f: {  	_ =	shalt  }
0x50: {  	_ =	shalt  }
0x51: {  	_ =	shalt  }
0x52: {  	_ =	shalt  }
0x53: {  	_ =	shalt  }
0x54: {  	_ =	shalt  }
0x55: {  	_ =	shalt  }
0x56: {  	_ =	shalt  }
0x57: {  	_ =	shalt  }
0x58: {  	_ =	shalt  }
0x59: {  	_ =	shalt  }
0x5a: {  	_ =	shalt  }
0x5b: {  	_ =	shalt  }
0x5c: {  	_ =	shalt  }
0x5d: {  	_ =	shalt  }
0x5e: {  	_ =	shalt  }
0x5f: {  	_ =	shalt  }
0x60: {  	_ =	shalt  }
0x61: {  	_ =	shalt  }
0x62: {  	_ =	shalt  }
0x63: {  	_ =	shalt  }
0x64: {  	_ =	shalt  }
0x65: {  	_ =	shalt  }
0x66: {  	_ =	shalt  }
0x67: {  	_ =	shalt  }
0x68: {  	_ =	shalt  }
0x69: {  	_ =	shalt  }
0x6a: {  	_ =	shalt  }
0x6b: {  	_ =	shalt  }
0x6c: {  	_ =	shalt  }
0x6d: {  	_ =	shalt  }
0x6e: {  	_ =	shalt  }
0x6f: {  	_ =	shalt  }
0x70: {  	_ =	shalt  }
0x71: {  	_ =	shalt  }
0x72: {  	_ =	shalt  }
0x73: {  	_ =	shalt  }
0x74: {  	_ =	shalt  }
0x75: {  	_ =	shalt  }
0x76: {  	_ =	shalt  }
0x77: {  	_ =	shalt  }
0x78: {  	_ =	shalt  }
0x79: {  	_ =	shalt  }
0x7a: {  	_ =	shalt  }
0x7b: {  	_ =	shalt  }
0x7c: {  	_ =	shalt  }
0x7d: {  	_ =	shalt  }
0x7e: {  	_ =	shalt  }
0x7f: {  	_ =	shalt  }
0x80: {  	_ =	shalt  }
0x81: {  	_ =	shalt  }
0x82: {  	_ =	shalt  }
0x83: {  	_ =	shalt  }
0x84: {  	_ =	shalt  }
0x85: {  	_ =	shalt  }
0x86: {  	_ =	shalt  }
0x87: {  	_ =	shalt  }
.Lfunc_end0:
.L_simem_size_0:
called_computation.1_lowered:
.L_overlay_start_0:
0x88: {  	s2 =	sld [smem:$0x3FD9]  }
0x89: {  	s3 =	sld [smem:$0x3FFE];
	_ =	sdelay $0x1  }
0x8a: {  	s1 =	srdreg.scid  }
0x8b: {  	s0 =	sand.u32 $0x1, s1  }
0x8c: {  	s17 =	sshll.u32 s0, $0xA;
	s2 =	sadd.s32 s3, s2  }
0x8d: {  	s2 =	sadd.s32 s2, s17  }
0x8e: {  	[smem:$0x3FC0] =	sst s2  }
0x8f: {  	_ = 	snop  }
0x90: {  	s2 =	sld [smem:$0x3FD0];
	(tm) =	ssettm $0x1  }
0x91: {  	s18 =	sld [smem:$0x3FFB];
	_ =	sdelay $0x3  }
0x92: {  	_ =	strace s18  }
0x93: {  	s3 =	sld [smem:$0x3FFC];
	_ =	sdelay $0x3  }
0x94: {  	_ =	strace s3  }
0x95: {  	s3 =	sld [smem:$0x3FFD];
	_ =	sdelay $0x3  }
0x96: {  	_ =	strace s3  }
0x97: {  	_ =	strace $0x8FFFFFFF  }
0x98: {  	s19 =	sld [smem:$0x3FDB];
	_ =	sdelay $0x1  }
0x99: {  	s4 =	simm.s32 $_scs_section_size  }
0x9a: {  	s5 =	simm.s32 $_size__tile_overlayer_lowered;
	s6 =	simm.s32 $_tile_overlayer_lowered  }
0x9b: {  	s22 =	simm.s32 $0x1BFF;
	s21 =	sshll.u32 s6, $0x1;
	s3 =	sadd.s32 s4, s19  }
0x9c: {  	s7 =	simm.s32 $0x0;
	s20 =	sshll.u32 s5, $0x1;
	s5 =	sadd.s32 s21, s3  }
0x9d: {  	[timem:s7], [sflag:s22] =	dma.local [hbm:s5], s20  }
0x9e: {  	_ =	swait.ge [sflag:s22], s20  }
0x9f: {  	s4 =	ssub.s32 $0x0, s20;
	[sflag:s22] =	ssyncset.done $0x0  }
0xa0: {  	[sflag:s22] =	ssyncadd.s32 s4;
	_ =	sdelay $0x1  }
0xa1: {  	s23 =	simm.s32 $0x1B8B  }
0xa2: {  	_ =	swait.ge [sflag:s23], $0x1  }
0xa3: {  	[sflag:s23] =	ssyncset.done $0x0  }
0xa4: {  	s25 =	simm.s32 $0x1B8E;
	s24 =	sld [smem:$0x3FFE];
	[sflag:s23] =	ssyncadd.s32 $0xFFFFFFFF  }
0xa5: {  	s26 =	simm.s32 $execute0_lowered;
	[smem:$0x3FD2] =	sst s25  }
0xa6: {  	s5 =	sshll.u32 s26, $0x1;
	_ =	strace $0x80000049;
	[dreg:$0x1] =	wrdreg $0xFFFFFFFF  }
0xa7: {  	s28 =	simm.s32 $_size_execute0_lowered;
	s3 =	sadd.s32 s3, s5;
	[dreg:$0x0] =	wrdreg $0x0  }
0xa8: {  	s5 =	sshll.u32 s28, $0x1;
	[dreg:$0x2] =	wrdreg s3  }
0xa9: {  	[dreg:$0x3] =	wrdreg s5  }
0xaa: {  	[dreg:$0x4] =	wrdreg $0xC0  }
0xab: {  	_ =	task [dreg:s7], $0x5FFFF  }
0xac: {  	[dreg:$0x1] =	wrdreg $0xFFFFFFFF  }
0xad: {  	[dreg:$0x0] =	wrdreg $0x60  }
0xae: {  	[dreg:$0x2] =	wrdreg s24  }
0xaf: {  	[dreg:$0x3] =	wrdreg s2  }
0xb0: {  	[dreg:$0x4] =	wrdreg $0x90000  }
0xb1: {  	[dreg:$0x5] =	wrdreg $0x9  }
0xb2: {  	_ =	task.clear_ibuf [dreg:s7], $0x6FFFF;
	_ =	strace $0x90000049  }
0xb3: {  	s29 =	simm.s32 $0x9;
	_ =	strace $0x8000004B  }
0xb4: {  	_ =	swait.ge [sflag:s29], $0x1  }
0xb5: {  	[sflag:s29] =	ssyncadd.s32 $0xFFFFFFFF  }
0xb6: {  	_ =	strace $0x9000004B  }
0xb7: {  	_ =	sfence  }
0xb8: {  	s30 =	sld [smem:$0x0];
	_ =	sdelay $0x2  }
0xb9: {  	s31 =	sshll.u32 s1, $0xD;
	s1 =	sshrl.u32 s1, $0x2  }
0xba: {  	s3 =	sand.u32 $0x4000, s31;
	s1 =	sadd.s32 s1, s30  }
0xbb: {  	s0 =	sor.u32 s3, s0;
	s1 =	sshll.u32 s1, $0x11  }
0xbc: {  	s0 =	sor.u32 s1, s0  }
0xbd: {  	s0 =	sadd.s32 $0x8F2B, s0  }
0xbe: {  	[sflag:s0] =	ssyncadd.remote.s32 $0x1  }
0xbf: {  	_ =	sfence.sel $0xFFFF  }
0xc0: {  	[dreg:$0x0] =	wrdreg $0xFFFFFFFF;
	(pc) =	sbr.abs _section_cstart, $3  }
0xc1: {  	[dreg:$0x1] =	wrdreg $0xFFFFFFFF  }
0xc2: {  	_ =	task.clear_ibuf [dreg:s7], $0x2FFFF;
	_ =	strace $0x9FFFFFFF  }
0xc3: {  	(tm) =	ssettm $0x7FFFFFFF  }
tec
execute0_lowered:
.L_overlay_start_1:
0x0: {  	(tag) =	ssettag $0x1  }
0x1: {  	s5 =	rddreg [dreg:$0x0]  }
0x2: {  	s1 =	srdreg.scid;
	s6 =	rddreg [dreg:$0x1]  }
0x3: {  	s0 =	stileid.u32;
	s2 =	rddreg [dreg:$0x2];
	s3 =	simm.s32 $0x0  }
0x4: {  	s28 =	simm.s32 $0x0;
	s4 =	sand.u32 $0x1, s1;
	s8 =	smul.u32 $0x50000, s0  }
0x5: {  	s22 =	sshll.u32 s0, $0x1;
	[smem:$0x7FF] =	sst s3;
	s17 =	smul.u32 $0x14000, s0  }
0x6: {  	s18 =	sadd.s32 $0x85E00, s5;
	s7 =	sor.u32 s4, s22;
	_ =	strace $0x8000004A  }
0x7: {  	s9 =	ssub.s32 $0x2, s4;
	s16 =	smul.u32 $0x140000, s4;
	s4 =	sadd.s32 $0x5DE00, s5  }
0x8: {  	s7 =	smul.u32 $0x500, s7;
	s10 =	sshrl.u32 s9, $0x1;
	s23 =	sshrl.u32 s8, $0x2  }
0x9: {  	s15 =	sadd.s32 $0x4000, s17;
	s19 =	sadd.s32 $0x8000, s17;
	s26 =	sadd.s32 $0xC000, s17  }
0xa: {  	s9 =	ssub.s32 s9, s10;
	s24 =	sadd.s32 s16, s17;
	s13 =	sadd.s32 s16, s15  }
0xb: {  	s20 =	sadd.s32 s16, s19;
	s22 =	sadd.s32 s15, s2;
	s21 =	sadd.s32 s16, s26  }
0xc: {  	s11 =	sadd.s32 s7, s5;
	s5 =	sadd.s32 s6, s7;
	s7 =	sadd.s32 s23, s2  }
0xd: {  	s8 =	sshrl.u32 s24, $0x3;
	s9 =	smax.u32 s9, $0x1;
	s14 =	sshrl.u32 s13, $0x3  }
0xe: {  	s25 =	sshrl.u32 s20, $0x3;
	s23 =	sadd.s32 $0x10000, s17;
	s24 =	sadd.s32 s19, s2  }
0xf: {  	s29 =	sshrl.u32 s21, $0x3;
	s19 =	simm.s32 $0x2800;
	s20 =	simm.s32 $0x5000  }
0x10: {  	s21 =	simm.s32 $0x80;
	s22 =	sshrl.u32 s22, $0x3;
	s6 =	sadd.s32 $0x3E00, s11  }
0x11: {  	s8 =	sadd.s32 s18, s8;
	s10 =	sadd.s32 $0x4000, s7;
	s11 =	sadd.s32 $0x8000, s7  }
0x12: {  	s12 =	sadd.s32 $0xC000, s7;
	s13 =	sadd.s32 $0x10000, s7;
	s14 =	sadd.s32 s18, s14  }
0x13: {  	s15 =	sadd.s32 s18, s25;
	s30 =	sadd.s32 s16, s23;
	s16 =	sadd.s32 s18, s29  }
0x14: {  	s25 =	sadd.s32 s26, s2;
	s26 =	sadd.s32 s23, s2;
	s23 =	sshrl.u32 s24, $0x3  }
0x15: {  	s31 =	sshrl.u32 s30, $0x3;
	s24 =	sshrl.u32 s25, $0x3;
	s25 =	sshrl.u32 s26, $0x3  }
0x16: {  	v0 =	vimm.f32 $0.0e+00;
	s26 =	simm.s32 $0x1;
	s17 =	sadd.s32 s18, s31;
	s18 =	simm.s32 $0x2  }
.LBB2_1:
0x17: {  	[tilespmem:s3], [sflag:$0x2] =	stream.linear.gather [hbm4b:s5+s3], $0x2800, $0x38;
	[tilespmem:$0x1D000] =	vst v63  }
0x18: {  	_ =	swait.ge [sflag:s18], $0x2800  }
0x19: {  	[sflag:s18] =	ssyncset.done $0x0  }
0x1a: {  	[sflag:s18] =	ssyncadd.s32 $0xFFFFD800  }
0x1b: {  	[tilespmem:s19], [sflag:$0x2] =	stream.linear.gather [hbm4b:s6+s3], $0x2800, $0x38;
	[tilespmem:$0x1D000] =	vst v63  }
0x1c: {  	_ =	swait.ge [sflag:s18], $0x2800  }
0x1d: {  	[sflag:s18] =	ssyncset.done $0x0  }
0x1e: {  	s29 =	simm.s32 $0x0;
	s30 =	simm.s32 $0x200;
	[sflag:s18] =	ssyncadd.s32 $0xFFFFD800  }
.LBB2_2:
0x1f: {  	p0 =	sne.s32 s30, $0xFE00;
	[tilespmem:s29+$0x5070] =	vst v0  }
0x20: {  	[tilespmem:s29+$0x5000] =	vst v0  }
0x21: {  	[tilespmem:s29+$0x5010] =	vst v0  }
.Ltmp0:
0x22: {  	[tilespmem:s29+$0x5020] =	vst v0;
	(pc) =	sbr.rel @p0 .LBB2_2-.Ltmp0, $4  }
0x23: {  	[tilespmem:s29+$0x5030] =	vst v0  }
0x24: {  	[tilespmem:s29+$0x5040] =	vst v0  }
0x25: {  	[tilespmem:s29+$0x5050] =	vst v0  }
0x26: {  	[tilespmem:s29+$0x5060] =	vst v0;
	s29 =	sshra.s32 s30, $0x2;
	s30 =	sadd.s32 $0x200, s30  }
0x27: {  	[tilespmem:s29+$0x5070] =	vst v0  }
0x28: {  	[tilespmem:s29+$0x5000] =	vst v0  }
0x29: {  	[tilespmem:s29+$0x5010] =	vst v0  }
0x2a: {  	[tilespmem:s29+$0x5020] =	vst v0  }
0x2b: {  	[tilespmem:s29+$0x5030] =	vst v0  }
0x2c: {  	[tilespmem:s29+$0x5040] =	vst v0  }
0x2d: {  	[tilespmem:s29+$0x5050] =	vst v0  }
0x2e: {  	[tilespmem:s29+$0x5060] =	vst v0  }
0x2f: {  	[spmem:s7] =	stream.linear.scatter [tilespmem:s20], [sflag:$0x2], $0x4000, $0x38;
	[tilespmem:$0x1D000] =	vst v63  }
0x30: {  	_ =	swait.ge [sflag:s18], $0x4000  }
0x31: {  	[sflag:s18] =	ssyncset.done $0x0  }
0x32: {  	[sflag:s18] =	ssyncadd.s32 $0xFFFFC000  }
0x33: {  	[spmem:s10] =	stream.linear.scatter [tilespmem:s20], [sflag:$0x2], $0x4000, $0x38;
	[tilespmem:$0x1D000] =	vst v63  }
0x34: {  	_ =	swait.ge [sflag:s18], $0x4000  }
0x35: {  	[sflag:s18] =	ssyncset.done $0x0  }
0x36: {  	[sflag:s18] =	ssyncadd.s32 $0xFFFFC000  }
0x37: {  	[spmem:s11] =	stream.linear.scatter [tilespmem:s20], [sflag:$0x2], $0x4000, $0x38;
	[tilespmem:$0x1D000] =	vst v63  }
0x38: {  	_ =	swait.ge [sflag:s18], $0x4000  }
0x39: {  	[sflag:s18] =	ssyncset.done $0x0  }
0x3a: {  	[sflag:s18] =	ssyncadd.s32 $0xFFFFC000  }
0x3b: {  	[spmem:s12] =	stream.linear.scatter [tilespmem:s20], [sflag:$0x2], $0x4000, $0x38;
	[tilespmem:$0x1D000] =	vst v63  }
0x3c: {  	_ =	swait.ge [sflag:s18], $0x4000  }
0x3d: {  	[sflag:s18] =	ssyncset.done $0x0  }
0x3e: {  	[sflag:s18] =	ssyncadd.s32 $0xFFFFC000  }
0x3f: {  	[spmem:s13] =	stream.linear.scatter [tilespmem:s20], [sflag:$0x2], $0x4000, $0x38;
	[tilespmem:$0x1D000] =	vst v63  }
0x40: {  	_ =	swait.ge [sflag:s18], $0x4000  }
0x41: {  	[sflag:s18] =	ssyncset.done $0x0  }
0x42: {  	[sflag:s18] =	ssyncadd.s32 $0xFFFFC000  }
0x43: {  	s29 =	simm.s32 $0x0;
	[bflag:$0x0] =	sbarrier.arrive $0xFFFF  }
0x44: {  	[tilespmem:s20], [sflag:$0x1] =	stream.indirect.gather [hbm4b:s4+s21], $0x80, s29, s21, $0xb8;
	[tilespmem:$0x1D000] =	vst v63  }
0x45: {  	_ =	swait.ge [sflag:s26], $0x4000  }
0x46: {  	[sflag:s26] =	ssyncset.done $0x0  }
0x47: {  	s29 =	simm.s32 $0x2800;
	[sflag:s26] =	ssyncadd.s32 $0xFFFFC000  }
0x48: {  	[spmem:s2] =	stream.indirect.scatter.add.f32 [tilespmem:s20], [sflag:$0x2], $0x80, s29, s21, $0xb8;
	[tilespmem:$0x1D000] =	vst v63  }
0x49: {  	_ =	swait.ge [sflag:s18], $0x4000  }
0x4a: {  	s30 =	simm.s32 $0x400;
	s29 =	simm.s32 $0x200;
	[sflag:s18] =	ssyncset.done $0x0  }
.LBB2_4:
0x4b: {  	s31 =	sshra.s32 s29, $0x2  }
0x4c: {  	[sflag:s18] =	ssyncadd.s32 $0xFFFFC000;
	s29 =	smov.u32 s30;
	s1 =	sadd.s32 $0x200, s30  }
0x4d: {  	[tilespmem:s20], [sflag:$0x1] =	stream.indirect.gather [hbm4b:s4+s21], $0x80, s31, s21, $0xb8;
	[tilespmem:$0x1D000] =	vst v63  }
0x4e: {  	p0 =	sne.s32 s30, $0x9E00;
	_ =	swait.ge [sflag:s26], $0x4000  }
.Ltmp1:
0x4f: {  	[sflag:s26] =	ssyncset.done $0x0;
	(pc) =	sbr.rel @p0 .LBB2_4-.Ltmp1, $4  }
0x50: {  	s30 =	sadd.s32 $0x2800, s31;
	[sflag:s26] =	ssyncadd.s32 $0xFFFFC000  }
0x51: {  	[spmem:s2] =	stream.indirect.scatter.add.f32 [tilespmem:s20], [sflag:$0x2], $0x80, s30, s21, $0xb8;
	[tilespmem:$0x1D000] =	vst v63  }
0x52: {  	_ =	swait.ge [sflag:s18], $0x4000  }
0x53: {  	s30 =	smov.u32 s1;
	[sflag:s18] =	ssyncset.done $0x0  }
0x54: {  	s1 =	sshra.s32 s29, $0x2;
	[sflag:s18] =	ssyncadd.s32 $0xFFFFC000  }
0x55: {  	[tilespmem:s20], [sflag:$0x1] =	stream.indirect.gather [hbm4b:s4+s21], $0x80, s1, s21, $0xb8;
	[tilespmem:$0x1D000] =	vst v63  }
0x56: {  	_ =	swait.ge [sflag:s26], $0x4000  }
0x57: {  	[sflag:s26] =	ssyncset.done $0x0  }
0x58: {  	s1 =	sadd.s32 $0x2800, s1;
	[sflag:s26] =	ssyncadd.s32 $0xFFFFC000  }
0x59: {  	[spmem:s2] =	stream.indirect.scatter.add.f32 [tilespmem:s20], [sflag:$0x2], $0x80, s1, s21, $0xb8;
	[tilespmem:$0x1D000] =	vst v63  }
0x5a: {  	_ =	swait.ge [sflag:s18], $0x4000  }
0x5b: {  	[sflag:s18] =	ssyncset.done $0x0  }
0x5c: {  	s30 =	sshll.u32 s0, $0x6;
	[sflag:s18] =	ssyncadd.s32 $0xFFFFC000  }
0x5d: {  	s31 =	sshrl.u32 s7, $0x3;
	s1 =	sor.u32 $0x1C02, s30;
	[bflag:$0x0] =	sbarrier.arrive $0xFFFF  }
0x5e: {  	[hbm:s8], [sflag:s1] =	dma.local [spmem:s31], $0x800  }
0x5f: {  	_ =	swait.ge [sflag:s18], $0x800  }
0x60: {  	[sflag:s18] =	ssyncset.done $0x0  }
0x61: {  	[sflag:s18] =	ssyncadd.s32 $0xFFFFF800  }
0x62: {  	[hbm:s14], [sflag:s1] =	dma.local [spmem:s22], $0x800  }
0x63: {  	_ =	swait.ge [sflag:s18], $0x800  }
0x64: {  	[sflag:s18] =	ssyncset.done $0x0  }
0x65: {  	[sflag:s18] =	ssyncadd.s32 $0xFFFFF800  }
0x66: {  	[hbm:s15], [sflag:s1] =	dma.local [spmem:s23], $0x800  }
0x67: {  	_ =	swait.ge [sflag:s18], $0x800  }
0x68: {  	[sflag:s18] =	ssyncset.done $0x0  }
0x69: {  	[sflag:s18] =	ssyncadd.s32 $0xFFFFF800  }
0x6a: {  	[hbm:s16], [sflag:s1] =	dma.local [spmem:s24], $0x800  }
0x6b: {  	s28 =	sadd.s32 $0x1, s28;
	_ =	swait.ge [sflag:s18], $0x800  }
0x6c: {  	p0 =	sne.s32 s28, s9;
	[sflag:s18] =	ssyncset.done $0x0  }
.Ltmp2:
0x6d: {  	[sflag:s18] =	ssyncadd.s32 $0xFFFFF800;
	(pc) =	sbr.rel @p0 .LBB2_1-.Ltmp2, $4  }
0x6e: {  	[hbm:s17], [sflag:s1] =	dma.local [spmem:s25], $0x800  }
0x6f: {  	_ =	swait.ge [sflag:s18], $0x800  }
0x70: {  	[sflag:s18] =	ssyncset.done $0x0  }
0x71: {  	[sflag:s18] =	ssyncadd.s32 $0xFFFFF800  }
0x72: {  	_ =	sfence.sel $0x180000  }
0x73: {  	[bflag:$0x0] =	sbarrier.arrive $0xFFFF  }
0x74: {  	_ =	strace $0x9000004A  }
0x75: {  	[bflag:$0x2] =	sbarrier.arrive $0xFFFF  }
0x76: {  	p0 =	sne.s32 s0, $0x0;
	s0 =	rddreg [dreg:$0x3]  }
0x77: {  	s0 =	sadd.s32 @!p0 $0x100000, s0  }
0x78: {  	[sflag:s0] =	ssyncadd.tile.s32 @!p0 $0x1;
	_ =	shalt  }
.Lfunc_end2:
_tile_overlayer_lowered:
.L_overlay_start_2:
0x79: {  	(tag) =	ssettag $0x2  }
0x7a: {  	s0 =	rddreg [dreg:$0x0];
	s2 =	stileid.u32  }
0x7b: {  	s1 =	rddreg [dreg:$0x1];
	p0 =	sne.s32 s2, $0x0  }
0x7c: {  	s3 =	rddreg [dreg:$0x2];
	[bflag:$0x3] =	sbarrier.arrive $0xFFFF;
	s2 =	simm.s32 @!p0 $0x1C02  }
0x7d: {  	[timem:s3], [sflag:s2] =	dma.local @!p0 [hbm:s0], s1  }
0x7e: {  	s0 =	simm.s32 @!p0 $0x2  }
0x7f: {  	_ =	swait.ge @!p0 [sflag:s0], s1  }
0x80: {  	s1 =	ssub.s32 @!p0 $0x0, s1;
	[sflag:s0] =	ssyncset.done @!p0 $0x0  }
0x81: {  	[sflag:s0] =	ssyncadd.s32 @!p0 s1  }
0x82: {  	[bflag:$0x3] =	sbarrier.arrive $0xFFFF  }
0x83: {  	_ =	shalt  }

// kernel: kernel.18.cloned.1.call-start
scs
__scs_entry_jumppad:
0x0: {  	(pc) =	sbr.rel $0x88, $3  }
0x1: {  	(tag) =	ssettag $0x0;
	lr =	simm.s32 $0x1  }
0x2: {  	[smem:$0x3F99] =	sst lr;
	_ =	strace $0xD0000000  }
0x3: {  	_ = 	snop  }
0x4: {  	_ = 	snop  }
0x5: {  	_ = 	snop  }
0x6: {  	_ = 	snop  }
0x7: {  	_ = 	snop  }
__scs_overlays_trampoline_lowered:
0x8: {  	[smem:$0x3FA8] =	sst s0  }
0x9: {  	[smem:$0x3FA9] =	sst s1  }
0xa: {  	[smem:$0x3FAA] =	sst s2  }
0xb: {  	[smem:$0x3FAB] =	sst s3  }
0xc: {  	[smem:$0x3FAC] =	sst s4  }
0xd: {  	[smem:$0x3FAD] =	sst s5  }
0xe: {  	[smem:$0x3FAE] =	sst s6  }
0xf: {  	[smem:$0x3FAF] =	sst s7  }
0x10: {  	[smem:$0x3FB0] =	sst s8  }
0x11: {  	[smem:$0x3FB1] =	sst s9;
	s0 =	simm.s32 @!p0 $0x0  }
0x12: {  	s1 =	sld [smem:$0x3F97];
	s0 =	simm.s32 @p0 $0x1  }
0x13: {  	[smem:$0x3FB2] =	sst s0;
	s0 =	simm.s32 @!p1 $0x0  }
0x14: {  	s2 =	sld [smem:$0x3F96];
	s0 =	simm.s32 @p1 $0x1  }
0x15: {  	[smem:$0x3FB3] =	sst s0;
	s0 =	simm.s32 @!p2 $0x0  }
0x16: {  	s3 =	sld [smem:$0x3FDB];
	s0 =	simm.s32 @p2 $0x1  }
0x17: {  	s4 =	simm.s32 $0x1BF5;
	[smem:$0x3FB5] =	sst s0  }
0x18: {  	s0 =	sld [smem:$0x3F98];
	_ =	swait.ge [sflag:s4], $0x0  }
0x19: {  	s7 =	sld [smem:$0x3F99]  }
0x1a: {  	s8 =	sadd.s32 $0xFFFFE003, lr  }
0x1b: {  	s9 =	sadd.s32 $0xFFFFFEF7, lr;
	s5 =	simm.s32 $0xFFFFFFFF;
	p2 =	slt.u32 s8, $0xFFFFF086  }
0x1c: {  	p1 =	slt.u32 s9, $0xF7A;
	s5 =	simm.s32 @!p2 $0x0  }
0x1d: {  	s5 =	simm.s32 @p1 $0x1;
	p0 =	seq.s32 s7, s2  }
0x1e: {  	s7 =	smul.u32 @!p0 $0xF7A, s2;
	p2 =	seq.s32 @!p0 s5, $0x0  }
0x1f: {  	s9 =	smul.u32 $0xF7A, s1;
	s8 =	simm.s32 @!p0 $0x1BF5;
	p2 =	por !p2, p0  }
0x20: {  	[sflag:s8] =	ssyncset.s32 @!p0 $0xFFFFF086;
	s6 =	sadd.s32 @!p0 s3, s7;
	s7 =	simm.s32 @!p0 $0x108  }
0x21: {  	s3 =	sadd.s32 s3, s9;
	s6 =	sadd.s32 @!p0 $0x88, s6;
	s7 =	simm.s32 @p2 $0x1082  }
0x22: {  	[simem:s7], [sflag:s8] =	dma.local @!p0 [hbm:s6], $0xF7A  }
0x23: {  	s9 =	sor.u32 $0xD0000000, s2;
	s6 =	simm.s32 $0x108;
	_ =	swait.ge @!p0 [sflag:s8], $0x0  }
0x24: {  	s3 =	sadd.s32 $0x88, s3;
	s6 =	simm.s32 @!p1 $0x1082;
	[sflag:s4] =	ssyncset.s32 $0xFFFFF086  }
0x25: {  	[simem:s6], [sflag:s4] =	dma.local [hbm:s3], $0xF7A  }
0x26: {  	[smem:$0x3F99] =	sst s1;
	(tag) =	ssettag s2;
	_ =	strace s9  }
0x27: {  	s1 =	sld [smem:$0x3FA9]  }
0x28: {  	s2 =	sld [smem:$0x3FAA]  }
0x29: {  	s4 =	sld [smem:$0x3FAC]  }
0x2a: {  	p0 =	seq.s32 s5, $0x0;
	s5 =	sld [smem:$0x3FAD]  }
0x2b: {  	s6 =	sld [smem:$0x3FAE]  }
0x2c: {  	s7 =	sld [smem:$0x3FAF]  }
0x2d: {  	s3 =	simm.s32 $0x108;
	s8 =	sld [smem:$0x3FB0]  }
0x2e: {  	s3 =	simm.s32 @!p0 $0x1082;
	s9 =	sld [smem:$0x3FB1]  }
0x2f: {  	lr =	sadd.s32 s0, s3;
	s0 =	sld [smem:$0x3FA8]  }
0x30: {  	s3 =	sld [smem:$0x3FAB]  }
0x31: {  	[smem:$0x3FB4] =	sst s10  }
0x32: {  	s10 =	sld [smem:$0x3FB2];
	_ =	sdelay $0x3  }
0x33: {  	p0 =	seq.s32 s10, $0x1;
	s10 =	sld [smem:$0x3FB4];
	_ =	sdelay $0x3  }
0x34: {  	[smem:$0x3FB4] =	sst s10  }
0x35: {  	s10 =	sld [smem:$0x3FB3];
	_ =	sdelay $0x3  }
0x36: {  	p1 =	seq.s32 s10, $0x1;
	s10 =	sld [smem:$0x3FB4];
	_ =	sdelay $0x3  }
0x37: {  	[smem:$0x3FB4] =	sst s10  }
0x38: {  	s10 =	sld [smem:$0x3FB5]  }
0x39: {  	_ = 	snop;
	(pc) =	sbr.ind lr, $3  }
0x3a: {  	_ = 	snop  }
0x3b: {  	_ = 	snop  }
0x3c: {  	p2 =	seq.s32 s10, $0x1;
	s10 =	sld [smem:$0x3FB4]  }
0x3d: {  	_ =	shalt  }
0x3e: {  	_ =	shalt  }
0x3f: {  	_ =	shalt  }
0x40: {  	_ =	shalt  }
0x41: {  	_ =	shalt  }
0x42: {  	_ =	shalt  }
0x43: {  	_ =	shalt  }
0x44: {  	_ =	shalt  }
0x45: {  	_ =	shalt  }
0x46: {  	_ =	shalt  }
0x47: {  	_ =	shalt  }
0x48: {  	_ =	shalt  }
0x49: {  	_ =	shalt  }
0x4a: {  	_ =	shalt  }
0x4b: {  	_ =	shalt  }
0x4c: {  	_ =	shalt  }
0x4d: {  	_ =	shalt  }
0x4e: {  	_ =	shalt  }
0x4f: {  	_ =	shalt  }
0x50: {  	_ =	shalt  }
0x51: {  	_ =	shalt  }
0x52: {  	_ =	shalt  }
0x53: {  	_ =	shalt  }
0x54: {  	_ =	shalt  }
0x55: {  	_ =	shalt  }
0x56: {  	_ =	shalt  }
0x57: {  	_ =	shalt  }
0x58: {  	_ =	shalt  }
0x59: {  	_ =	shalt  }
0x5a: {  	_ =	shalt  }
0x5b: {  	_ =	shalt  }
0x5c: {  	_ =	shalt  }
0x5d: {  	_ =	shalt  }
0x5e: {  	_ =	shalt  }
0x5f: {  	_ =	shalt  }
0x60: {  	_ =	shalt  }
0x61: {  	_ =	shalt  }
0x62: {  	_ =	shalt  }
0x63: {  	_ =	shalt  }
0x64: {  	_ =	shalt  }
0x65: {  	_ =	shalt  }
0x66: {  	_ =	shalt  }
0x67: {  	_ =	shalt  }
0x68: {  	_ =	shalt  }
0x69: {  	_ =	shalt  }
0x6a: {  	_ =	shalt  }
0x6b: {  	_ =	shalt  }
0x6c: {  	_ =	shalt  }
0x6d: {  	_ =	shalt  }
0x6e: {  	_ =	shalt  }
0x6f: {  	_ =	shalt  }
0x70: {  	_ =	shalt  }
0x71: {  	_ =	shalt  }
0x72: {  	_ =	shalt  }
0x73: {  	_ =	shalt  }
0x74: {  	_ =	shalt  }
0x75: {  	_ =	shalt  }
0x76: {  	_ =	shalt  }
0x77: {  	_ =	shalt  }
0x78: {  	_ =	shalt  }
0x79: {  	_ =	shalt  }
0x7a: {  	_ =	shalt  }
0x7b: {  	_ =	shalt  }
0x7c: {  	_ =	shalt  }
0x7d: {  	_ =	shalt  }
0x7e: {  	_ =	shalt  }
0x7f: {  	_ =	shalt  }
0x80: {  	_ =	shalt  }
0x81: {  	_ =	shalt  }
0x82: {  	_ =	shalt  }
0x83: {  	_ =	shalt  }
0x84: {  	_ =	shalt  }
0x85: {  	_ =	shalt  }
0x86: {  	_ =	shalt  }
0x87: {  	_ =	shalt  }
.Lfunc_end0:
.L_simem_size_0:
called_computation.2_lowered:
.L_overlay_start_0:
0x88: {  	s2 =	sld [smem:$0x3FD9]  }
0x89: {  	s3 =	sld [smem:$0x3FFE];
	_ =	sdelay $0x1  }
0x8a: {  	s1 =	srdreg.scid  }
0x8b: {  	s0 =	sand.u32 $0x1, s1  }
0x8c: {  	s17 =	sshll.u32 s0, $0xA;
	s2 =	sadd.s32 s3, s2  }
0x8d: {  	s2 =	sadd.s32 s2, s17  }
0x8e: {  	[smem:$0x3FC0] =	sst s2  }
0x8f: {  	_ = 	snop  }
0x90: {  	s2 =	sld [smem:$0x3FD0];
	(tm) =	ssettm $0x1  }
0x91: {  	s18 =	sld [smem:$0x3FFB];
	_ =	sdelay $0x3  }
0x92: {  	_ =	strace s18  }
0x93: {  	s3 =	sld [smem:$0x3FFC];
	_ =	sdelay $0x3  }
0x94: {  	_ =	strace s3  }
0x95: {  	s3 =	sld [smem:$0x3FFD];
	_ =	sdelay $0x3  }
0x96: {  	_ =	strace s3  }
0x97: {  	_ =	strace $0x8FFFFFFF  }
0x98: {  	s19 =	sld [smem:$0x3FDB];
	_ =	sdelay $0x1  }
0x99: {  	s4 =	simm.s32 $_scs_section_size  }
0x9a: {  	s5 =	simm.s32 $_size__tile_overlayer_lowered;
	s6 =	simm.s32 $_tile_overlayer_lowered  }
0x9b: {  	s22 =	simm.s32 $0x1BFF;
	s21 =	sshll.u32 s6, $0x1;
	s3 =	sadd.s32 s4, s19  }
0x9c: {  	s7 =	simm.s32 $0x0;
	s20 =	sshll.u32 s5, $0x1;
	s5 =	sadd.s32 s21, s3  }
0x9d: {  	[timem:s7], [sflag:s22] =	dma.local [hbm:s5], s20  }
0x9e: {  	_ =	swait.ge [sflag:s22], s20  }
0x9f: {  	s4 =	ssub.s32 $0x0, s20;
	[sflag:s22] =	ssyncset.done $0x0  }
0xa0: {  	[sflag:s22] =	ssyncadd.s32 s4;
	_ =	sdelay $0x1  }
0xa1: {  	s23 =	simm.s32 $0x1B8B  }
0xa2: {  	_ =	swait.ge [sflag:s23], $0x1  }
0xa3: {  	[sflag:s23] =	ssyncset.done $0x0  }
0xa4: {  	s25 =	simm.s32 $0x1B8E;
	s24 =	sld [smem:$0x3FFE];
	[sflag:s23] =	ssyncadd.s32 $0xFFFFFFFF  }
0xa5: {  	s26 =	simm.s32 $execute0_lowered;
	[smem:$0x3FD2] =	sst s25  }
0xa6: {  	s5 =	sshll.u32 s26, $0x1;
	_ =	strace $0x8000004C;
	[dreg:$0x1] =	wrdreg $0xFFFFFFFF  }
0xa7: {  	s28 =	simm.s32 $_size_execute0_lowered;
	s3 =	sadd.s32 s3, s5;
	[dreg:$0x0] =	wrdreg $0x0  }
0xa8: {  	s5 =	sshll.u32 s28, $0x1;
	[dreg:$0x2] =	wrdreg s3  }
0xa9: {  	[dreg:$0x3] =	wrdreg s5  }
0xaa: {  	[dreg:$0x4] =	wrdreg $0xC0  }
0xab: {  	_ =	task [dreg:s7], $0x5FFFF  }
0xac: {  	[dreg:$0x1] =	wrdreg $0xFFFFFFFF  }
0xad: {  	[dreg:$0x0] =	wrdreg $0x60  }
0xae: {  	[dreg:$0x2] =	wrdreg s24  }
0xaf: {  	[dreg:$0x3] =	wrdreg s2  }
0xb0: {  	[dreg:$0x4] =	wrdreg $0x90000  }
0xb1: {  	[dreg:$0x5] =	wrdreg $0x9  }
0xb2: {  	_ =	task.clear_ibuf [dreg:s7], $0x6FFFF;
	_ =	strace $0x9000004C  }
0xb3: {  	s29 =	simm.s32 $0x9;
	_ =	strace $0x8000004E  }
0xb4: {  	_ =	swait.ge [sflag:s29], $0x1  }
0xb5: {  	[sflag:s29] =	ssyncadd.s32 $0xFFFFFFFF  }
0xb6: {  	_ =	strace $0x9000004E  }
0xb7: {  	_ =	sfence  }
0xb8: {  	s30 =	sld [smem:$0x0];
	_ =	sdelay $0x2  }
0xb9: {  	s31 =	sshll.u32 s1, $0xD;
	s1 =	sshrl.u32 s1, $0x2  }
0xba: {  	s3 =	sand.u32 $0x4000, s31;
	s1 =	sadd.s32 s1, s30  }
0xbb: {  	s0 =	sor.u32 s3, s0;
	s1 =	sshll.u32 s1, $0x11  }
0xbc: {  	s0 =	sor.u32 s1, s0  }
0xbd: {  	s0 =	sadd.s32 $0x8F2B, s0  }
0xbe: {  	[sflag:s0] =	ssyncadd.remote.s32 $0x1  }
0xbf: {  	_ =	sfence.sel $0xFFFF  }
0xc0: {  	[dreg:$0x0] =	wrdreg $0xFFFFFFFF;
	(pc) =	sbr.abs _section_cstart, $3  }
0xc1: {  	[dreg:$0x1] =	wrdreg $0xFFFFFFFF  }
0xc2: {  	_ =	task.clear_ibuf [dreg:s7], $0x2FFFF;
	_ =	strace $0x9FFFFFFF  }
0xc3: {  	(tm) =	ssettm $0x7FFFFFFF  }
tec
execute0_lowered:
.L_overlay_start_1:
0x0: {  	(tag) =	ssettag $0x1  }
0x1: {  	s5 =	rddreg [dreg:$0x0]  }
0x2: {  	s1 =	srdreg.scid;
	s6 =	rddreg [dreg:$0x1]  }
0x3: {  	s0 =	stileid.u32;
	s2 =	rddreg [dreg:$0x2];
	s3 =	simm.s32 $0x0  }
0x4: {  	s28 =	simm.s32 $0x0;
	s4 =	sand.u32 $0x1, s1;
	s8 =	smul.u32 $0x50000, s0  }
0x5: {  	s22 =	sshll.u32 s0, $0x1;
	[smem:$0x7FF] =	sst s3;
	s17 =	smul.u32 $0x14000, s0  }
0x6: {  	s18 =	sadd.s32 $0x85E00, s5;
	s7 =	sor.u32 s4, s22;
	_ =	strace $0x8000004D  }
0x7: {  	s9 =	ssub.s32 $0x2, s4;
	s16 =	smul.u32 $0x140000, s4;
	s4 =	sadd.s32 $0x5DE00, s5  }
0x8: {  	s7 =	smul.u32 $0x500, s7;
	s10 =	sshrl.u32 s9, $0x1;
	s23 =	sshrl.u32 s8, $0x2  }
0x9: {  	s15 =	sadd.s32 $0x4000, s17;
	s19 =	sadd.s32 $0x8000, s17;
	s26 =	sadd.s32 $0xC000, s17  }
0xa: {  	s9 =	ssub.s32 s9, s10;
	s24 =	sadd.s32 s16, s17;
	s13 =	sadd.s32 s16, s15  }
0xb: {  	s20 =	sadd.s32 s16, s19;
	s22 =	sadd.s32 s15, s2;
	s21 =	sadd.s32 s16, s26  }
0xc: {  	s11 =	sadd.s32 s7, s5;
	s5 =	sadd.s32 s6, s7;
	s7 =	sadd.s32 s23, s2  }
0xd: {  	s8 =	sshrl.u32 s24, $0x3;
	s9 =	smax.u32 s9, $0x1;
	s14 =	sshrl.u32 s13, $0x3  }
0xe: {  	s25 =	sshrl.u32 s20, $0x3;
	s23 =	sadd.s32 $0x10000, s17;
	s24 =	sadd.s32 s19, s2  }
0xf: {  	s29 =	sshrl.u32 s21, $0x3;
	s19 =	simm.s32 $0x2800;
	s20 =	simm.s32 $0x5000  }
0x10: {  	s21 =	simm.s32 $0x80;
	s22 =	sshrl.u32 s22, $0x3;
	s6 =	sadd.s32 $0x3E00, s11  }
0x11: {  	s8 =	sadd.s32 s18, s8;
	s10 =	sadd.s32 $0x4000, s7;
	s11 =	sadd.s32 $0x8000, s7  }
0x12: {  	s12 =	sadd.s32 $0xC000, s7;
	s13 =	sadd.s32 $0x10000, s7;
	s14 =	sadd.s32 s18, s14  }
0x13: {  	s15 =	sadd.s32 s18, s25;
	s30 =	sadd.s32 s16, s23;
	s16 =	sadd.s32 s18, s29  }
0x14: {  	s25 =	sadd.s32 s26, s2;
	s26 =	sadd.s32 s23, s2;
	s23 =	sshrl.u32 s24, $0x3  }
0x15: {  	s31 =	sshrl.u32 s30, $0x3;
	s24 =	sshrl.u32 s25, $0x3;
	s25 =	sshrl.u32 s26, $0x3  }
0x16: {  	v0 =	vimm.f32 $0.0e+00;
	s26 =	simm.s32 $0x1;
	s17 =	sadd.s32 s18, s31;
	s18 =	simm.s32 $0x2  }
.LBB2_1:
0x17: {  	[tilespmem:s3], [sflag:$0x2] =	stream.linear.gather [hbm4b:s5+s3], $0x2800, $0x38;
	[tilespmem:$0x1D000] =	vst v63  }
0x18: {  	_ =	swait.ge [sflag:s18], $0x2800  }
0x19: {  	[sflag:s18] =	ssyncset.done $0x0  }
0x1a: {  	[sflag:s18] =	ssyncadd.s32 $0xFFFFD800  }
0x1b: {  	[tilespmem:s19], [sflag:$0x2] =	stream.linear.gather [hbm4b:s6+s3], $0x2800, $0x38;
	[tilespmem:$0x1D000] =	vst v63  }
0x1c: {  	_ =	swait.ge [sflag:s18], $0x2800  }
0x1d: {  	[sflag:s18] =	ssyncset.done $0x0  }
0x1e: {  	s29 =	simm.s32 $0x0;
	s30 =	simm.s32 $0x200;
	[sflag:s18] =	ssyncadd.s32 $0xFFFFD800  }
.LBB2_2:
0x1f: {  	p0 =	sne.s32 s30, $0xFE00;
	[tilespmem:s29+$0x5070] =	vst v0  }
0x20: {  	[tilespmem:s29+$0x5000] =	vst v0  }
0x21: {  	[tilespmem:s29+$0x5010] =	vst v0  }
.Ltmp0:
0x22: {  	[tilespmem:s29+$0x5020] =	vst v0;
	(pc) =	sbr.rel @p0 .LBB2_2-.Ltmp0, $4  }
0x23: {  	[tilespmem:s29+$0x5030] =	vst v0  }
0x24: {  	[tilespmem:s29+$0x5040] =	vst v0  }
0x25: {  	[tilespmem:s29+$0x5050] =	vst v0  }
0x26: {  	[tilespmem:s29+$0x5060] =	vst v0;
	s29 =	sshra.s32 s30, $0x2;
	s30 =	sadd.s32 $0x200, s30  }
0x27: {  	[tilespmem:s29+$0x5070] =	vst v0  }
0x28: {  	[tilespmem:s29+$0x5000] =	vst v0  }
0x29: {  	[tilespmem:s29+$0x5010] =	vst v0  }
0x2a: {  	[tilespmem:s29+$0x5020] =	vst v0  }
0x2b: {  	[tilespmem:s29+$0x5030] =	vst v0  }
0x2c: {  	[tilespmem:s29+$0x5040] =	vst v0  }
0x2d: {  	[tilespmem:s29+$0x5050] =	vst v0  }
0x2e: {  	[tilespmem:s29+$0x5060] =	vst v0  }
0x2f: {  	[spmem:s7] =	stream.linear.scatter [tilespmem:s20], [sflag:$0x2], $0x4000, $0x38;
	[tilespmem:$0x1D000] =	vst v63  }
0x30: {  	_ =	swait.ge [sflag:s18], $0x4000  }
0x31: {  	[sflag:s18] =	ssyncset.done $0x0  }
0x32: {  	[sflag:s18] =	ssyncadd.s32 $0xFFFFC000  }
0x33: {  	[spmem:s10] =	stream.linear.scatter [tilespmem:s20], [sflag:$0x2], $0x4000, $0x38;
	[tilespmem:$0x1D000] =	vst v63  }
0x34: {  	_ =	swait.ge [sflag:s18], $0x4000  }
0x35: {  	[sflag:s18] =	ssyncset.done $0x0  }
0x36: {  	[sflag:s18] =	ssyncadd.s32 $0xFFFFC000  }
0x37: {  	[spmem:s11] =	stream.linear.scatter [tilespmem:s20], [sflag:$0x2], $0x4000, $0x38;
	[tilespmem:$0x1D000] =	vst v63  }
0x38: {  	_ =	swait.ge [sflag:s18], $0x4000  }
0x39: {  	[sflag:s18] =	ssyncset.done $0x0  }
0x3a: {  	[sflag:s18] =	ssyncadd.s32 $0xFFFFC000  }
0x3b: {  	[spmem:s12] =	stream.linear.scatter [tilespmem:s20], [sflag:$0x2], $0x4000, $0x38;
	[tilespmem:$0x1D000] =	vst v63  }
0x3c: {  	_ =	swait.ge [sflag:s18], $0x4000  }
0x3d: {  	[sflag:s18] =	ssyncset.done $0x0  }
0x3e: {  	[sflag:s18] =	ssyncadd.s32 $0xFFFFC000  }
0x3f: {  	[spmem:s13] =	stream.linear.scatter [tilespmem:s20], [sflag:$0x2], $0x4000, $0x38;
	[tilespmem:$0x1D000] =	vst v63  }
0x40: {  	_ =	swait.ge [sflag:s18], $0x4000  }
0x41: {  	[sflag:s18] =	ssyncset.done $0x0  }
0x42: {  	[sflag:s18] =	ssyncadd.s32 $0xFFFFC000  }
0x43: {  	s29 =	simm.s32 $0x0;
	[bflag:$0x0] =	sbarrier.arrive $0xFFFF  }
0x44: {  	[tilespmem:s20], [sflag:$0x1] =	stream.indirect.gather [hbm4b:s4+s21], $0x80, s29, s21, $0xb8;
	[tilespmem:$0x1D000] =	vst v63  }
0x45: {  	_ =	swait.ge [sflag:s26], $0x4000  }
0x46: {  	[sflag:s26] =	ssyncset.done $0x0  }
0x47: {  	s29 =	simm.s32 $0x2800;
	[sflag:s26] =	ssyncadd.s32 $0xFFFFC000  }
0x48: {  	[spmem:s2] =	stream.indirect.scatter.add.f32 [tilespmem:s20], [sflag:$0x2], $0x80, s29, s21, $0xb8;
	[tilespmem:$0x1D000] =	vst v63  }
0x49: {  	_ =	swait.ge [sflag:s18], $0x4000  }
0x4a: {  	s30 =	simm.s32 $0x400;
	s29 =	simm.s32 $0x200;
	[sflag:s18] =	ssyncset.done $0x0  }
.LBB2_4:
0x4b: {  	s31 =	sshra.s32 s29, $0x2  }
0x4c: {  	[sflag:s18] =	ssyncadd.s32 $0xFFFFC000;
	s29 =	smov.u32 s30;
	s1 =	sadd.s32 $0x200, s30  }
0x4d: {  	[tilespmem:s20], [sflag:$0x1] =	stream.indirect.gather [hbm4b:s4+s21], $0x80, s31, s21, $0xb8;
	[tilespmem:$0x1D000] =	vst v63  }
0x4e: {  	p0 =	sne.s32 s30, $0x9E00;
	_ =	swait.ge [sflag:s26], $0x4000  }
.Ltmp1:
0x4f: {  	[sflag:s26] =	ssyncset.done $0x0;
	(pc) =	sbr.rel @p0 .LBB2_4-.Ltmp1, $4  }
0x50: {  	s30 =	sadd.s32 $0x2800, s31;
	[sflag:s26] =	ssyncadd.s32 $0xFFFFC000  }
0x51: {  	[spmem:s2] =	stream.indirect.scatter.add.f32 [tilespmem:s20], [sflag:$0x2], $0x80, s30, s21, $0xb8;
	[tilespmem:$0x1D000] =	vst v63  }
0x52: {  	_ =	swait.ge [sflag:s18], $0x4000  }
0x53: {  	s30 =	smov.u32 s1;
	[sflag:s18] =	ssyncset.done $0x0  }
0x54: {  	s1 =	sshra.s32 s29, $0x2;
	[sflag:s18] =	ssyncadd.s32 $0xFFFFC000  }
0x55: {  	[tilespmem:s20], [sflag:$0x1] =	stream.indirect.gather [hbm4b:s4+s21], $0x80, s1, s21, $0xb8;
	[tilespmem:$0x1D000] =	vst v63  }
0x56: {  	_ =	swait.ge [sflag:s26], $0x4000  }
0x57: {  	[sflag:s26] =	ssyncset.done $0x0  }
0x58: {  	s1 =	sadd.s32 $0x2800, s1;
	[sflag:s26] =	ssyncadd.s32 $0xFFFFC000  }
0x59: {  	[spmem:s2] =	stream.indirect.scatter.add.f32 [tilespmem:s20], [sflag:$0x2], $0x80, s1, s21, $0xb8;
	[tilespmem:$0x1D000] =	vst v63  }
0x5a: {  	_ =	swait.ge [sflag:s18], $0x4000  }
0x5b: {  	[sflag:s18] =	ssyncset.done $0x0  }
0x5c: {  	s30 =	sshll.u32 s0, $0x6;
	[sflag:s18] =	ssyncadd.s32 $0xFFFFC000  }
0x5d: {  	s31 =	sshrl.u32 s7, $0x3;
	s1 =	sor.u32 $0x1C02, s30;
	[bflag:$0x0] =	sbarrier.arrive $0xFFFF  }
0x5e: {  	[hbm:s8], [sflag:s1] =	dma.local [spmem:s31], $0x800  }
0x5f: {  	_ =	swait.ge [sflag:s18], $0x800  }
0x60: {  	[sflag:s18] =	ssyncset.done $0x0  }
0x61: {  	[sflag:s18] =	ssyncadd.s32 $0xFFFFF800  }
0x62: {  	[hbm:s14], [sflag:s1] =	dma.local [spmem:s22], $0x800  }
0x63: {  	_ =	swait.ge [sflag:s18], $0x800  }
0x64: {  	[sflag:s18] =	ssyncset.done $0x0  }
0x65: {  	[sflag:s18] =	ssyncadd.s32 $0xFFFFF800  }
0x66: {  	[hbm:s15], [sflag:s1] =	dma.local [spmem:s23], $0x800  }
0x67: {  	_ =	swait.ge [sflag:s18], $0x800  }
0x68: {  	[sflag:s18] =	ssyncset.done $0x0  }
0x69: {  	[sflag:s18] =	ssyncadd.s32 $0xFFFFF800  }
0x6a: {  	[hbm:s16], [sflag:s1] =	dma.local [spmem:s24], $0x800  }
0x6b: {  	s28 =	sadd.s32 $0x1, s28;
	_ =	swait.ge [sflag:s18], $0x800  }
0x6c: {  	p0 =	sne.s32 s28, s9;
	[sflag:s18] =	ssyncset.done $0x0  }
.Ltmp2:
0x6d: {  	[sflag:s18] =	ssyncadd.s32 $0xFFFFF800;
	(pc) =	sbr.rel @p0 .LBB2_1-.Ltmp2, $4  }
0x6e: {  	[hbm:s17], [sflag:s1] =	dma.local [spmem:s25], $0x800  }
0x6f: {  	_ =	swait.ge [sflag:s18], $0x800  }
0x70: {  	[sflag:s18] =	ssyncset.done $0x0  }
0x71: {  	[sflag:s18] =	ssyncadd.s32 $0xFFFFF800  }
0x72: {  	_ =	sfence.sel $0x180000  }
0x73: {  	[bflag:$0x0] =	sbarrier.arrive $0xFFFF  }
0x74: {  	_ =	strace $0x9000004D  }
0x75: {  	[bflag:$0x2] =	sbarrier.arrive $0xFFFF  }
0x76: {  	p0 =	sne.s32 s0, $0x0;
	s0 =	rddreg [dreg:$0x3]  }
0x77: {  	s0 =	sadd.s32 @!p0 $0x100000, s0  }
0x78: {  	[sflag:s0] =	ssyncadd.tile.s32 @!p0 $0x1;
	_ =	shalt  }
.Lfunc_end2:
_tile_overlayer_lowered:
.L_overlay_start_2:
0x79: {  	(tag) =	ssettag $0x2  }
0x7a: {  	s0 =	rddreg [dreg:$0x0];
	s2 =	stileid.u32  }
0x7b: {  	s1 =	rddreg [dreg:$0x1];
	p0 =	sne.s32 s2, $0x0  }
0x7c: {  	s3 =	rddreg [dreg:$0x2];
	[bflag:$0x3] =	sbarrier.arrive $0xFFFF;
	s2 =	simm.s32 @!p0 $0x1C02  }
0x7d: {  	[timem:s3], [sflag:s2] =	dma.local @!p0 [hbm:s0], s1  }
0x7e: {  	s0 =	simm.s32 @!p0 $0x2  }
0x7f: {  	_ =	swait.ge @!p0 [sflag:s0], s1  }
0x80: {  	s1 =	ssub.s32 @!p0 $0x0, s1;
	[sflag:s0] =	ssyncset.done @!p0 $0x0  }
0x81: {  	[sflag:s0] =	ssyncadd.s32 @!p0 s1  }
0x82: {  	[bflag:$0x3] =	sbarrier.arrive $0xFFFF  }
0x83: {  	_ =	shalt  }

// kernel: kernel.21.cloned.1.call-start
scs
__scs_entry_jumppad:
0x0: {  	(pc) =	sbr.rel $0x88, $3  }
0x1: {  	(tag) =	ssettag $0x0;
	lr =	simm.s32 $0x1  }
0x2: {  	[smem:$0x3F99] =	sst lr;
	_ =	strace $0xD0000000  }
0x3: {  	_ = 	snop  }
0x4: {  	_ = 	snop  }
0x5: {  	_ = 	snop  }
0x6: {  	_ = 	snop  }
0x7: {  	_ = 	snop  }
__scs_overlays_trampoline_lowered:
0x8: {  	[smem:$0x3FA8] =	sst s0  }
0x9: {  	[smem:$0x3FA9] =	sst s1  }
0xa: {  	[smem:$0x3FAA] =	sst s2  }
0xb: {  	[smem:$0x3FAB] =	sst s3  }
0xc: {  	[smem:$0x3FAC] =	sst s4  }
0xd: {  	[smem:$0x3FAD] =	sst s5  }
0xe: {  	[smem:$0x3FAE] =	sst s6  }
0xf: {  	[smem:$0x3FAF] =	sst s7  }
0x10: {  	[smem:$0x3FB0] =	sst s8  }
0x11: {  	[smem:$0x3FB1] =	sst s9;
	s0 =	simm.s32 @!p0 $0x0  }
0x12: {  	s1 =	sld [smem:$0x3F97];
	s0 =	simm.s32 @p0 $0x1  }
0x13: {  	[smem:$0x3FB2] =	sst s0;
	s0 =	simm.s32 @!p1 $0x0  }
0x14: {  	s2 =	sld [smem:$0x3F96];
	s0 =	simm.s32 @p1 $0x1  }
0x15: {  	[smem:$0x3FB3] =	sst s0;
	s0 =	simm.s32 @!p2 $0x0  }
0x16: {  	s3 =	sld [smem:$0x3FDB];
	s0 =	simm.s32 @p2 $0x1  }
0x17: {  	s4 =	simm.s32 $0x1BF5;
	[smem:$0x3FB5] =	sst s0  }
0x18: {  	s0 =	sld [smem:$0x3F98];
	_ =	swait.ge [sflag:s4], $0x0  }
0x19: {  	s7 =	sld [smem:$0x3F99]  }
0x1a: {  	s8 =	sadd.s32 $0xFFFFE003, lr  }
0x1b: {  	s9 =	sadd.s32 $0xFFFFFEF7, lr;
	s5 =	simm.s32 $0xFFFFFFFF;
	p2 =	slt.u32 s8, $0xFFFFF086  }
0x1c: {  	p1 =	slt.u32 s9, $0xF7A;
	s5 =	simm.s32 @!p2 $0x0  }
0x1d: {  	s5 =	simm.s32 @p1 $0x1;
	p0 =	seq.s32 s7, s2  }
0x1e: {  	s7 =	smul.u32 @!p0 $0xF7A, s2;
	p2 =	seq.s32 @!p0 s5, $0x0  }
0x1f: {  	s9 =	smul.u32 $0xF7A, s1;
	s8 =	simm.s32 @!p0 $0x1BF5;
	p2 =	por !p2, p0  }
0x20: {  	[sflag:s8] =	ssyncset.s32 @!p0 $0xFFFFF086;
	s6 =	sadd.s32 @!p0 s3, s7;
	s7 =	simm.s32 @!p0 $0x108  }
0x21: {  	s3 =	sadd.s32 s3, s9;
	s6 =	sadd.s32 @!p0 $0x88, s6;
	s7 =	simm.s32 @p2 $0x1082  }
0x22: {  	[simem:s7], [sflag:s8] =	dma.local @!p0 [hbm:s6], $0xF7A  }
0x23: {  	s9 =	sor.u32 $0xD0000000, s2;
	s6 =	simm.s32 $0x108;
	_ =	swait.ge @!p0 [sflag:s8], $0x0  }
0x24: {  	s3 =	sadd.s32 $0x88, s3;
	s6 =	simm.s32 @!p1 $0x1082;
	[sflag:s4] =	ssyncset.s32 $0xFFFFF086  }
0x25: {  	[simem:s6], [sflag:s4] =	dma.local [hbm:s3], $0xF7A  }
0x26: {  	[smem:$0x3F99] =	sst s1;
	(tag) =	ssettag s2;
	_ =	strace s9  }
0x27: {  	s1 =	sld [smem:$0x3FA9]  }
0x28: {  	s2 =	sld [smem:$0x3FAA]  }
0x29: {  	s4 =	sld [smem:$0x3FAC]  }
0x2a: {  	p0 =	seq.s32 s5, $0x0;
	s5 =	sld [smem:$0x3FAD]  }
0x2b: {  	s6 =	sld [smem:$0x3FAE]  }
0x2c: {  	s7 =	sld [smem:$0x3FAF]  }
0x2d: {  	s3 =	simm.s32 $0x108;
	s8 =	sld [smem:$0x3FB0]  }
0x2e: {  	s3 =	simm.s32 @!p0 $0x1082;
	s9 =	sld [smem:$0x3FB1]  }
0x2f: {  	lr =	sadd.s32 s0, s3;
	s0 =	sld [smem:$0x3FA8]  }
0x30: {  	s3 =	sld [smem:$0x3FAB]  }
0x31: {  	[smem:$0x3FB4] =	sst s10  }
0x32: {  	s10 =	sld [smem:$0x3FB2];
	_ =	sdelay $0x3  }
0x33: {  	p0 =	seq.s32 s10, $0x1;
	s10 =	sld [smem:$0x3FB4];
	_ =	sdelay $0x3  }
0x34: {  	[smem:$0x3FB4] =	sst s10  }
0x35: {  	s10 =	sld [smem:$0x3FB3];
	_ =	sdelay $0x3  }
0x36: {  	p1 =	seq.s32 s10, $0x1;
	s10 =	sld [smem:$0x3FB4];
	_ =	sdelay $0x3  }
0x37: {  	[smem:$0x3FB4] =	sst s10  }
0x38: {  	s10 =	sld [smem:$0x3FB5]  }
0x39: {  	_ = 	snop;
	(pc) =	sbr.ind lr, $3  }
0x3a: {  	_ = 	snop  }
0x3b: {  	_ = 	snop  }
0x3c: {  	p2 =	seq.s32 s10, $0x1;
	s10 =	sld [smem:$0x3FB4]  }
0x3d: {  	_ =	shalt  }
0x3e: {  	_ =	shalt  }
0x3f: {  	_ =	shalt  }
0x40: {  	_ =	shalt  }
0x41: {  	_ =	shalt  }
0x42: {  	_ =	shalt  }
0x43: {  	_ =	shalt  }
0x44: {  	_ =	shalt  }
0x45: {  	_ =	shalt  }
0x46: {  	_ =	shalt  }
0x47: {  	_ =	shalt  }
0x48: {  	_ =	shalt  }
0x49: {  	_ =	shalt  }
0x4a: {  	_ =	shalt  }
0x4b: {  	_ =	shalt  }
0x4c: {  	_ =	shalt  }
0x4d: {  	_ =	shalt  }
0x4e: {  	_ =	shalt  }
0x4f: {  	_ =	shalt  }
0x50: {  	_ =	shalt  }
0x51: {  	_ =	shalt  }
0x52: {  	_ =	shalt  }
0x53: {  	_ =	shalt  }
0x54: {  	_ =	shalt  }
0x55: {  	_ =	shalt  }
0x56: {  	_ =	shalt  }
0x57: {  	_ =	shalt  }
0x58: {  	_ =	shalt  }
0x59: {  	_ =	shalt  }
0x5a: {  	_ =	shalt  }
0x5b: {  	_ =	shalt  }
0x5c: {  	_ =	shalt  }
0x5d: {  	_ =	shalt  }
0x5e: {  	_ =	shalt  }
0x5f: {  	_ =	shalt  }
0x60: {  	_ =	shalt  }
0x61: {  	_ =	shalt  }
0x62: {  	_ =	shalt  }
0x63: {  	_ =	shalt  }
0x64: {  	_ =	shalt  }
0x65: {  	_ =	shalt  }
0x66: {  	_ =	shalt  }
0x67: {  	_ =	shalt  }
0x68: {  	_ =	shalt  }
0x69: {  	_ =	shalt  }
0x6a: {  	_ =	shalt  }
0x6b: {  	_ =	shalt  }
0x6c: {  	_ =	shalt  }
0x6d: {  	_ =	shalt  }
0x6e: {  	_ =	shalt  }
0x6f: {  	_ =	shalt  }
0x70: {  	_ =	shalt  }
0x71: {  	_ =	shalt  }
0x72: {  	_ =	shalt  }
0x73: {  	_ =	shalt  }
0x74: {  	_ =	shalt  }
0x75: {  	_ =	shalt  }
0x76: {  	_ =	shalt  }
0x77: {  	_ =	shalt  }
0x78: {  	_ =	shalt  }
0x79: {  	_ =	shalt  }
0x7a: {  	_ =	shalt  }
0x7b: {  	_ =	shalt  }
0x7c: {  	_ =	shalt  }
0x7d: {  	_ =	shalt  }
0x7e: {  	_ =	shalt  }
0x7f: {  	_ =	shalt  }
0x80: {  	_ =	shalt  }
0x81: {  	_ =	shalt  }
0x82: {  	_ =	shalt  }
0x83: {  	_ =	shalt  }
0x84: {  	_ =	shalt  }
0x85: {  	_ =	shalt  }
0x86: {  	_ =	shalt  }
0x87: {  	_ =	shalt  }
.Lfunc_end0:
.L_simem_size_0:
called_computation.3_lowered:
.L_overlay_start_0:
0x88: {  	s2 =	sld [smem:$0x3FD9]  }
0x89: {  	s3 =	sld [smem:$0x3FFE];
	_ =	sdelay $0x1  }
0x8a: {  	s1 =	srdreg.scid  }
0x8b: {  	s0 =	sand.u32 $0x1, s1  }
0x8c: {  	s17 =	sshll.u32 s0, $0xA;
	s2 =	sadd.s32 s3, s2  }
0x8d: {  	s2 =	sadd.s32 s2, s17  }
0x8e: {  	[smem:$0x3FC0] =	sst s2  }
0x8f: {  	_ = 	snop  }
0x90: {  	s2 =	sld [smem:$0x3FD0];
	(tm) =	ssettm $0x1  }
0x91: {  	s18 =	sld [smem:$0x3FFB];
	_ =	sdelay $0x3  }
0x92: {  	_ =	strace s18  }
0x93: {  	s3 =	sld [smem:$0x3FFC];
	_ =	sdelay $0x3  }
0x94: {  	_ =	strace s3  }
0x95: {  	s3 =	sld [smem:$0x3FFD];
	_ =	sdelay $0x3  }
0x96: {  	_ =	strace s3  }
0x97: {  	_ =	strace $0x8FFFFFFF  }
0x98: {  	s19 =	sld [smem:$0x3FDB];
	_ =	sdelay $0x1  }
0x99: {  	s4 =	simm.s32 $_scs_section_size  }
0x9a: {  	s5 =	simm.s32 $_size__tile_overlayer_lowered;
	s6 =	simm.s32 $_tile_overlayer_lowered  }
0x9b: {  	s22 =	simm.s32 $0x1BFF;
	s21 =	sshll.u32 s6, $0x1;
	s3 =	sadd.s32 s4, s19  }
0x9c: {  	s7 =	simm.s32 $0x0;
	s20 =	sshll.u32 s5, $0x1;
	s5 =	sadd.s32 s21, s3  }
0x9d: {  	[timem:s7], [sflag:s22] =	dma.local [hbm:s5], s20  }
0x9e: {  	_ =	swait.ge [sflag:s22], s20  }
0x9f: {  	s4 =	ssub.s32 $0x0, s20;
	[sflag:s22] =	ssyncset.done $0x0  }
0xa0: {  	[sflag:s22] =	ssyncadd.s32 s4;
	_ =	sdelay $0x1  }
0xa1: {  	s23 =	simm.s32 $0x1B8B  }
0xa2: {  	_ =	swait.ge [sflag:s23], $0x1  }
0xa3: {  	[sflag:s23] =	ssyncset.done $0x0  }
0xa4: {  	s25 =	simm.s32 $0x1B8E;
	s24 =	sld [smem:$0x3FFE];
	[sflag:s23] =	ssyncadd.s32 $0xFFFFFFFF  }
0xa5: {  	s26 =	simm.s32 $execute0_lowered;
	[smem:$0x3FD2] =	sst s25  }
0xa6: {  	s5 =	sshll.u32 s26, $0x1;
	_ =	strace $0x8000004F;
	[dreg:$0x1] =	wrdreg $0xFFFFFFFF  }
0xa7: {  	s28 =	simm.s32 $_size_execute0_lowered;
	s3 =	sadd.s32 s3, s5;
	[dreg:$0x0] =	wrdreg $0x0  }
0xa8: {  	s5 =	sshll.u32 s28, $0x1;
	[dreg:$0x2] =	wrdreg s3  }
0xa9: {  	[dreg:$0x3] =	wrdreg s5  }
0xaa: {  	[dreg:$0x4] =	wrdreg $0xC0  }
0xab: {  	_ =	task [dreg:s7], $0x5FFFF  }
0xac: {  	[dreg:$0x1] =	wrdreg $0xFFFFFFFF  }
0xad: {  	[dreg:$0x0] =	wrdreg $0x60  }
0xae: {  	[dreg:$0x2] =	wrdreg s24  }
0xaf: {  	[dreg:$0x3] =	wrdreg s2  }
0xb0: {  	[dreg:$0x4] =	wrdreg $0x90000  }
0xb1: {  	[dreg:$0x5] =	wrdreg $0x9  }
0xb2: {  	_ =	task.clear_ibuf [dreg:s7], $0x6FFFF;
	_ =	strace $0x9000004F  }
0xb3: {  	s29 =	simm.s32 $0x9;
	_ =	strace $0x80000051  }
0xb4: {  	_ =	swait.ge [sflag:s29], $0x1  }
0xb5: {  	[sflag:s29] =	ssyncadd.s32 $0xFFFFFFFF  }
0xb6: {  	_ =	strace $0x90000051  }
0xb7: {  	_ =	sfence  }
0xb8: {  	s30 =	sld [smem:$0x0];
	_ =	sdelay $0x2  }
0xb9: {  	s31 =	sshll.u32 s1, $0xD;
	s1 =	sshrl.u32 s1, $0x2  }
0xba: {  	s3 =	sand.u32 $0x4000, s31;
	s1 =	sadd.s32 s1, s30  }
0xbb: {  	s0 =	sor.u32 s3, s0;
	s1 =	sshll.u32 s1, $0x11  }
0xbc: {  	s0 =	sor.u32 s1, s0  }
0xbd: {  	s0 =	sadd.s32 $0x8F2B, s0  }
0xbe: {  	[sflag:s0] =	ssyncadd.remote.s32 $0x1  }
0xbf: {  	_ =	sfence.sel $0xFFFF  }
0xc0: {  	[dreg:$0x0] =	wrdreg $0xFFFFFFFF;
	(pc) =	sbr.abs _section_cstart, $3  }
0xc1: {  	[dreg:$0x1] =	wrdreg $0xFFFFFFFF  }
0xc2: {  	_ =	task.clear_ibuf [dreg:s7], $0x2FFFF;
	_ =	strace $0x9FFFFFFF  }
0xc3: {  	(tm) =	ssettm $0x7FFFFFFF  }
tec
execute0_lowered:
.L_overlay_start_1:
0x0: {  	(tag) =	ssettag $0x1  }
0x1: {  	s5 =	rddreg [dreg:$0x0]  }
0x2: {  	s1 =	srdreg.scid;
	s6 =	rddreg [dreg:$0x1]  }
0x3: {  	s0 =	stileid.u32;
	s2 =	rddreg [dreg:$0x2];
	s3 =	simm.s32 $0x0  }
0x4: {  	s28 =	simm.s32 $0x0;
	s4 =	sand.u32 $0x1, s1;
	s8 =	smul.u32 $0x50000, s0  }
0x5: {  	s22 =	sshll.u32 s0, $0x1;
	[smem:$0x7FF] =	sst s3;
	s17 =	smul.u32 $0x14000, s0  }
0x6: {  	s18 =	sadd.s32 $0x85E00, s5;
	s7 =	sor.u32 s4, s22;
	_ =	strace $0x80000050  }
0x7: {  	s9 =	ssub.s32 $0x2, s4;
	s16 =	smul.u32 $0x140000, s4;
	s4 =	sadd.s32 $0x5DE00, s5  }
0x8: {  	s7 =	smul.u32 $0x500, s7;
	s10 =	sshrl.u32 s9, $0x1;
	s23 =	sshrl.u32 s8, $0x2  }
0x9: {  	s15 =	sadd.s32 $0x4000, s17;
	s19 =	sadd.s32 $0x8000, s17;
	s26 =	sadd.s32 $0xC000, s17  }
0xa: {  	s9 =	ssub.s32 s9, s10;
	s24 =	sadd.s32 s16, s17;
	s13 =	sadd.s32 s16, s15  }
0xb: {  	s20 =	sadd.s32 s16, s19;
	s22 =	sadd.s32 s15, s2;
	s21 =	sadd.s32 s16, s26  }
0xc: {  	s11 =	sadd.s32 s7, s5;
	s5 =	sadd.s32 s6, s7;
	s7 =	sadd.s32 s23, s2  }
0xd: {  	s8 =	sshrl.u32 s24, $0x3;
	s9 =	smax.u32 s9, $0x1;
	s14 =	sshrl.u32 s13, $0x3  }
0xe: {  	s25 =	sshrl.u32 s20, $0x3;
	s23 =	sadd.s32 $0x10000, s17;
	s24 =	sadd.s32 s19, s2  }
0xf: {  	s29 =	sshrl.u32 s21, $0x3;
	s19 =	simm.s32 $0x2800;
	s20 =	simm.s32 $0x5000  }
0x10: {  	s21 =	simm.s32 $0x80;
	s22 =	sshrl.u32 s22, $0x3;
	s6 =	sadd.s32 $0x3E00, s11  }
0x11: {  	s8 =	sadd.s32 s18, s8;
	s10 =	sadd.s32 $0x4000, s7;
	s11 =	sadd.s32 $0x8000, s7  }
0x12: {  	s12 =	sadd.s32 $0xC000, s7;
	s13 =	sadd.s32 $0x10000, s7;
	s14 =	sadd.s32 s18, s14  }
0x13: {  	s15 =	sadd.s32 s18, s25;
	s30 =	sadd.s32 s16, s23;
	s16 =	sadd.s32 s18, s29  }
0x14: {  	s25 =	sadd.s32 s26, s2;
	s26 =	sadd.s32 s23, s2;
	s23 =	sshrl.u32 s24, $0x3  }
0x15: {  	s31 =	sshrl.u32 s30, $0x3;
	s24 =	sshrl.u32 s25, $0x3;
	s25 =	sshrl.u32 s26, $0x3  }
0x16: {  	v0 =	vimm.f32 $0.0e+00;
	s26 =	simm.s32 $0x1;
	s17 =	sadd.s32 s18, s31;
	s18 =	simm.s32 $0x2  }
.LBB2_1:
0x17: {  	[tilespmem:s3], [sflag:$0x2] =	stream.linear.gather [hbm4b:s5+s3], $0x2800, $0x38;
	[tilespmem:$0x1D000] =	vst v63  }
0x18: {  	_ =	swait.ge [sflag:s18], $0x2800  }
0x19: {  	[sflag:s18] =	ssyncset.done $0x0  }
0x1a: {  	[sflag:s18] =	ssyncadd.s32 $0xFFFFD800  }
0x1b: {  	[tilespmem:s19], [sflag:$0x2] =	stream.linear.gather [hbm4b:s6+s3], $0x2800, $0x38;
	[tilespmem:$0x1D000] =	vst v63  }
0x1c: {  	_ =	swait.ge [sflag:s18], $0x2800  }
0x1d: {  	[sflag:s18] =	ssyncset.done $0x0  }
0x1e: {  	s29 =	simm.s32 $0x0;
	s30 =	simm.s32 $0x200;
	[sflag:s18] =	ssyncadd.s32 $0xFFFFD800  }
.LBB2_2:
0x1f: {  	p0 =	sne.s32 s30, $0xFE00;
	[tilespmem:s29+$0x5070] =	vst v0  }
0x20: {  	[tilespmem:s29+$0x5000] =	vst v0  }
0x21: {  	[tilespmem:s29+$0x5010] =	vst v0  }
.Ltmp0:
0x22: {  	[tilespmem:s29+$0x5020] =	vst v0;
	(pc) =	sbr.rel @p0 .LBB2_2-.Ltmp0, $4  }
0x23: {  	[tilespmem:s29+$0x5030] =	vst v0  }
0x24: {  	[tilespmem:s29+$0x5040] =	vst v0  }
0x25: {  	[tilespmem:s29+$0x5050] =	vst v0  }
0x26: {  	[tilespmem:s29+$0x5060] =	vst v0;
	s29 =	sshra.s32 s30, $0x2;
	s30 =	sadd.s32 $0x200, s30  }
0x27: {  	[tilespmem:s29+$0x5070] =	vst v0  }
0x28: {  	[tilespmem:s29+$0x5000] =	vst v0  }
0x29: {  	[tilespmem:s29+$0x5010] =	vst v0  }
0x2a: {  	[tilespmem:s29+$0x5020] =	vst v0  }
0x2b: {  	[tilespmem:s29+$0x5030] =	vst v0  }
0x2c: {  	[tilespmem:s29+$0x5040] =	vst v0  }
0x2d: {  	[tilespmem:s29+$0x5050] =	vst v0  }
0x2e: {  	[tilespmem:s29+$0x5060] =	vst v0  }
0x2f: {  	[spmem:s7] =	stream.linear.scatter [tilespmem:s20], [sflag:$0x2], $0x4000, $0x38;
	[tilespmem:$0x1D000] =	vst v63  }
0x30: {  	_ =	swait.ge [sflag:s18], $0x4000  }
0x31: {  	[sflag:s18] =	ssyncset.done $0x0  }
0x32: {  	[sflag:s18] =	ssyncadd.s32 $0xFFFFC000  }
0x33: {  	[spmem:s10] =	stream.linear.scatter [tilespmem:s20], [sflag:$0x2], $0x4000, $0x38;
	[tilespmem:$0x1D000] =	vst v63  }
0x34: {  	_ =	swait.ge [sflag:s18], $0x4000  }
0x35: {  	[sflag:s18] =	ssyncset.done $0x0  }
0x36: {  	[sflag:s18] =	ssyncadd.s32 $0xFFFFC000  }
0x37: {  	[spmem:s11] =	stream.linear.scatter [tilespmem:s20], [sflag:$0x2], $0x4000, $0x38;
	[tilespmem:$0x1D000] =	vst v63  }
0x38: {  	_ =	swait.ge [sflag:s18], $0x4000  }
0x39: {  	[sflag:s18] =	ssyncset.done $0x0  }
0x3a: {  	[sflag:s18] =	ssyncadd.s32 $0xFFFFC000  }
0x3b: {  	[spmem:s12] =	stream.linear.scatter [tilespmem:s20], [sflag:$0x2], $0x4000, $0x38;
	[tilespmem:$0x1D000] =	vst v63  }
0x3c: {  	_ =	swait.ge [sflag:s18], $0x4000  }
0x3d: {  	[sflag:s18] =	ssyncset.done $0x0  }
0x3e: {  	[sflag:s18] =	ssyncadd.s32 $0xFFFFC000  }
0x3f: {  	[spmem:s13] =	stream.linear.scatter [tilespmem:s20], [sflag:$0x2], $0x4000, $0x38;
	[tilespmem:$0x1D000] =	vst v63  }
0x40: {  	_ =	swait.ge [sflag:s18], $0x4000  }
0x41: {  	[sflag:s18] =	ssyncset.done $0x0  }
0x42: {  	[sflag:s18] =	ssyncadd.s32 $0xFFFFC000  }
0x43: {  	s29 =	simm.s32 $0x0;
	[bflag:$0x0] =	sbarrier.arrive $0xFFFF  }
0x44: {  	[tilespmem:s20], [sflag:$0x1] =	stream.indirect.gather [hbm4b:s4+s21], $0x80, s29, s21, $0xb8;
	[tilespmem:$0x1D000] =	vst v63  }
0x45: {  	_ =	swait.ge [sflag:s26], $0x4000  }
0x46: {  	[sflag:s26] =	ssyncset.done $0x0  }
0x47: {  	s29 =	simm.s32 $0x2800;
	[sflag:s26] =	ssyncadd.s32 $0xFFFFC000  }
0x48: {  	[spmem:s2] =	stream.indirect.scatter.add.f32 [tilespmem:s20], [sflag:$0x2], $0x80, s29, s21, $0xb8;
	[tilespmem:$0x1D000] =	vst v63  }
0x49: {  	_ =	swait.ge [sflag:s18], $0x4000  }
0x4a: {  	s30 =	simm.s32 $0x400;
	s29 =	simm.s32 $0x200;
	[sflag:s18] =	ssyncset.done $0x0  }
.LBB2_4:
0x4b: {  	s31 =	sshra.s32 s29, $0x2  }
0x4c: {  	[sflag:s18] =	ssyncadd.s32 $0xFFFFC000;
	s29 =	smov.u32 s30;
	s1 =	sadd.s32 $0x200, s30  }
0x4d: {  	[tilespmem:s20], [sflag:$0x1] =	stream.indirect.gather [hbm4b:s4+s21], $0x80, s31, s21, $0xb8;
	[tilespmem:$0x1D000] =	vst v63  }
0x4e: {  	p0 =	sne.s32 s30, $0x9E00;
	_ =	swait.ge [sflag:s26], $0x4000  }
.Ltmp1:
0x4f: {  	[sflag:s26] =	ssyncset.done $0x0;
	(pc) =	sbr.rel @p0 .LBB2_4-.Ltmp1, $4  }
0x50: {  	s30 =	sadd.s32 $0x2800, s31;
	[sflag:s26] =	ssyncadd.s32 $0xFFFFC000  }
0x51: {  	[spmem:s2] =	stream.indirect.scatter.add.f32 [tilespmem:s20], [sflag:$0x2], $0x80, s30, s21, $0xb8;
	[tilespmem:$0x1D000] =	vst v63  }
0x52: {  	_ =	swait.ge [sflag:s18], $0x4000  }
0x53: {  	s30 =	smov.u32 s1;
	[sflag:s18] =	ssyncset.done $0x0  }
0x54: {  	s1 =	sshra.s32 s29, $0x2;
	[sflag:s18] =	ssyncadd.s32 $0xFFFFC000  }
0x55: {  	[tilespmem:s20], [sflag:$0x1] =	stream.indirect.gather [hbm4b:s4+s21], $0x80, s1, s21, $0xb8;
	[tilespmem:$0x1D000] =	vst v63  }
0x56: {  	_ =	swait.ge [sflag:s26], $0x4000  }
0x57: {  	[sflag:s26] =	ssyncset.done $0x0  }
0x58: {  	s1 =	sadd.s32 $0x2800, s1;
	[sflag:s26] =	ssyncadd.s32 $0xFFFFC000  }
0x59: {  	[spmem:s2] =	stream.indirect.scatter.add.f32 [tilespmem:s20], [sflag:$0x2], $0x80, s1, s21, $0xb8;
	[tilespmem:$0x1D000] =	vst v63  }
0x5a: {  	_ =	swait.ge [sflag:s18], $0x4000  }
0x5b: {  	[sflag:s18] =	ssyncset.done $0x0  }
0x5c: {  	s30 =	sshll.u32 s0, $0x6;
	[sflag:s18] =	ssyncadd.s32 $0xFFFFC000  }
0x5d: {  	s31 =	sshrl.u32 s7, $0x3;
	s1 =	sor.u32 $0x1C02, s30;
	[bflag:$0x0] =	sbarrier.arrive $0xFFFF  }
0x5e: {  	[hbm:s8], [sflag:s1] =	dma.local [spmem:s31], $0x800  }
0x5f: {  	_ =	swait.ge [sflag:s18], $0x800  }
0x60: {  	[sflag:s18] =	ssyncset.done $0x0  }
0x61: {  	[sflag:s18] =	ssyncadd.s32 $0xFFFFF800  }
0x62: {  	[hbm:s14], [sflag:s1] =	dma.local [spmem:s22], $0x800  }
0x63: {  	_ =	swait.ge [sflag:s18], $0x800  }
0x64: {  	[sflag:s18] =	ssyncset.done $0x0  }
0x65: {  	[sflag:s18] =	ssyncadd.s32 $0xFFFFF800  }
0x66: {  	[hbm:s15], [sflag:s1] =	dma.local [spmem:s23], $0x800  }
0x67: {  	_ =	swait.ge [sflag:s18], $0x800  }
0x68: {  	[sflag:s18] =	ssyncset.done $0x0  }
0x69: {  	[sflag:s18] =	ssyncadd.s32 $0xFFFFF800  }
0x6a: {  	[hbm:s16], [sflag:s1] =	dma.local [spmem:s24], $0x800  }
0x6b: {  	s28 =	sadd.s32 $0x1, s28;
	_ =	swait.ge [sflag:s18], $0x800  }
0x6c: {  	p0 =	sne.s32 s28, s9;
	[sflag:s18] =	ssyncset.done $0x0  }
.Ltmp2:
0x6d: {  	[sflag:s18] =	ssyncadd.s32 $0xFFFFF800;
	(pc) =	sbr.rel @p0 .LBB2_1-.Ltmp2, $4  }
0x6e: {  	[hbm:s17], [sflag:s1] =	dma.local [spmem:s25], $0x800  }
0x6f: {  	_ =	swait.ge [sflag:s18], $0x800  }
0x70: {  	[sflag:s18] =	ssyncset.done $0x0  }
0x71: {  	[sflag:s18] =	ssyncadd.s32 $0xFFFFF800  }
0x72: {  	_ =	sfence.sel $0x180000  }
0x73: {  	[bflag:$0x0] =	sbarrier.arrive $0xFFFF  }
0x74: {  	_ =	strace $0x90000050  }
0x75: {  	[bflag:$0x2] =	sbarrier.arrive $0xFFFF  }
0x76: {  	p0 =	sne.s32 s0, $0x0;
	s0 =	rddreg [dreg:$0x3]  }
0x77: {  	s0 =	sadd.s32 @!p0 $0x100000, s0  }
0x78: {  	[sflag:s0] =	ssyncadd.tile.s32 @!p0 $0x1;
	_ =	shalt  }
.Lfunc_end2:
_tile_overlayer_lowered:
.L_overlay_start_2:
0x79: {  	(tag) =	ssettag $0x2  }
0x7a: {  	s0 =	rddreg [dreg:$0x0];
	s2 =	stileid.u32  }
0x7b: {  	s1 =	rddreg [dreg:$0x1];
	p0 =	sne.s32 s2, $0x0  }
0x7c: {  	s3 =	rddreg [dreg:$0x2];
	[bflag:$0x3] =	sbarrier.arrive $0xFFFF;
	s2 =	simm.s32 @!p0 $0x1C02  }
0x7d: {  	[timem:s3], [sflag:s2] =	dma.local @!p0 [hbm:s0], s1  }
0x7e: {  	s0 =	simm.s32 @!p0 $0x2  }
0x7f: {  	_ =	swait.ge @!p0 [sflag:s0], s1  }
0x80: {  	s1 =	ssub.s32 @!p0 $0x0, s1;
	[sflag:s0] =	ssyncset.done @!p0 $0x0  }
0x81: {  	[sflag:s0] =	ssyncadd.s32 @!p0 s1  }
0x82: {  	[bflag:$0x3] =	sbarrier.arrive $0xFFFF  }
0x83: {  	_ =	shalt  }

</sc_bundles>
